<compile_context>
chip_gen: v7x
topology: tpu7x:2x2x1
jax: 0.10.2.dev20260603
libtpu: 0.0.44.dev20260713+nightly
codegen_flags: <defaults>
</compile_context>

<pallas_src>
import jax
import jax.numpy as jnp
from jax import lax
from jax.experimental import pallas as pl
from jax.experimental.pallas import tpu as pltpu, tpu_sc as plsc

NC, NS, L = 2, 16, 16
NW = NC * NS


def _body(fpack_h, src_h, dst_h, zeros_h, spart_h, out_h,
          src_v, dst_v, w_v, rows_s, rows_d, out_v, s_a, s_b,
          sem_s, sem_d, sem_w, xsem, s_sc):
    cid = lax.axis_index("c")
    sid = lax.axis_index("s")
    wid = sid * NC + cid
    n_sub, b = src_v.shape
    n_grp = b // L

    @pl.when(sid == 0)
    def _():
        pltpu.sync_copy(zeros_h, s_sc)
    plsc.subcore_barrier()

    pltpu.sync_copy(src_h.at[wid], src_v)
    pltpu.sync_copy(dst_h.at[wid], dst_v)

    def start_gather(c, p):
        pltpu.async_copy(fpack_h.at[src_v.at[c]], rows_s.at[p], sem_s)
        pltpu.async_copy(fpack_h.at[dst_v.at[c]], rows_d.at[p], sem_d)

    def wait_gather(c, p):
        pltpu.make_async_copy(fpack_h.at[src_v.at[c]], rows_s.at[p], sem_s).wait()
        pltpu.make_async_copy(fpack_h.at[dst_v.at[c]], rows_d.at[p], sem_d).wait()

    start_gather(0, 0)

    def sub_body(c, _):
        p = lax.rem(c, 2)
        wait_gather(c, p)

        @pl.when(c + 1 < n_sub)
        def _():
            start_gather(c + 1, 1 - p)

        rs = rows_s.at[p]
        rd = rows_d.at[p]
        n_words = rows_s.shape[2]

        def grp_body(k, _):
            r16 = lax.iota(jnp.int32, L) + k * L
            rot = lax.iota(jnp.int32, L)

            def d_body(dc, accs):
                a0, a1, a2, a3 = accs
                for dd in range(8):
                    col = rot ^ (dd + dc * 8)
                    a = plsc.load_gather(rs, [r16, col])
                    bv = plsc.load_gather(rd, [r16, col])
                    prod = (plsc.bitcast(a, jnp.bfloat16) *
                            plsc.bitcast(bv, jnp.bfloat16))
                    plo, phi = plsc.unpack(
                        prod, format=plsc.PackFormat.INTERLEAVED)
                    if dd % 2 == 0:
                        a0 = a0 + plo
                        a1 = a1 + phi
                    else:
                        a2 = a2 + plo
                        a3 = a3 + phi
                return (a0, a1, a2, a3)

            z = jnp.zeros((L,), jnp.float32)
            accs = lax.fori_loop(0, n_words // 8, d_body, (z, z, z, z))
            dotp = (accs[0] + accs[1]) + (accs[2] + accs[3])
            w16 = jnp.exp(jnp.exp(jnp.abs(dotp) * (-0.01)))
            w_v[c, pl.ds(k * L, L)] = w16
            return 0

        lax.fori_loop(0, n_grp, grp_body, 0)
        return 0

    lax.fori_loop(0, n_sub, sub_body, 0)

    def scat_body(c, _):
        pltpu.async_copy(w_v.at[c], s_sc.at[dst_v.at[c]], sem_w, add=True)
        return 0

    lax.fori_loop(0, n_sub, scat_body, 0)

    def drain_body(c, _):
        pltpu.make_async_copy(
            w_v.at[c], s_sc.at[dst_v.at[c]], sem_w).wait()
        return 0

    lax.fori_loop(0, n_sub, drain_body, 0)
    plsc.subcore_barrier()

    @pl.when(sid == 0)
    def _():
        pltpu.sync_copy(s_sc, spart_h.at[cid])
        pltpu.semaphore_signal(xsem, 1, core_index=1 - cid)
        pltpu.semaphore_wait(xsem, 1)
    plsc.subcore_barrier()

    pltpu.sync_copy(spart_h.at[0], s_a)
    pltpu.sync_copy(spart_h.at[1], s_b)
    n_nodes = s_a.shape[0]

    def sum_body(i, _):
        sl = pl.ds(i * L, L)
        s_a[sl] = s_a[sl] + s_b[sl]
        return 0

    lax.fori_loop(0, n_nodes // L, sum_body, 0)

    def div_body(c, _):
        def grp_body(k, _):
            sl = pl.ds(k * L, L)
            d16 = dst_v[c, sl]
            s16 = plsc.load_gather(s_a, [d16])
            out_v[c, sl] = w_v[c, sl] / s16
            return 0

        lax.fori_loop(0, n_grp, grp_body, 0)
        return 0

    lax.fori_loop(0, n_sub, div_body, 0)
    pltpu.sync_copy(out_v, out_h.at[wid])


def kernel(feats, edge_index):
    n_nodes, d_feat = feats.shape
    e = edge_index.shape[1]
    chunk = e // NW
    b = 80
    n_sub = chunk // b

    src3 = edge_index[0].reshape(NW, n_sub, b)
    dst3 = edge_index[1].reshape(NW, n_sub, b)
    zeros = jnp.zeros((n_nodes,), jnp.float32)
    fpack = jax.lax.bitcast_convert_type(
        feats.astype(jnp.bfloat16).reshape(n_nodes, d_feat // 2, 2),
        jnp.int32)

    mesh = plsc.VectorSubcoreMesh(core_axis_name="c", subcore_axis_name="s",
                                  num_cores=NC, num_subcores=NS)
    cparams = pltpu.CompilerParams(needs_layout_passes=False,
                                   use_tc_tiling_on_sc=False)

    k1 = pl.kernel(
        _body,
        out_type=[
            jax.ShapeDtypeStruct((NC, n_nodes), jnp.float32),
            jax.ShapeDtypeStruct((NW, n_sub, b), jnp.float32),
        ],
        mesh=mesh,
        compiler_params=cparams,
        scratch_types=[
            pltpu.VMEM((n_sub, b), jnp.int32),
            pltpu.VMEM((n_sub, b), jnp.int32),
            pltpu.VMEM((n_sub, b), jnp.float32),
            pltpu.VMEM((2, b, d_feat // 2), jnp.int32),
            pltpu.VMEM((2, b, d_feat // 2), jnp.int32),
            pltpu.VMEM((n_sub, b), jnp.float32),
            pltpu.VMEM((n_nodes,), jnp.float32),
            pltpu.VMEM((n_nodes,), jnp.float32),
            pltpu.SemaphoreType.DMA,
            pltpu.SemaphoreType.DMA,
            pltpu.SemaphoreType.DMA,
            pltpu.SemaphoreType.REGULAR,
            pltpu.VMEM_SHARED((n_nodes,), jnp.float32),
        ],
    )
    _, out3 = k1(fpack, src3, dst3, zeros)
    return out3.reshape(e, 1)

# --- scband reference (transcript-rebuilt; emitter-appended) ---
"""Pipeline reference for scband-distance-35570919146090 (READ-ONLY COPY).

The authoritative reference and input builder live on the scoring server;
editing this copy changes nothing except your own understanding.
"""

import jax, jax.numpy as jnp
import numpy as np

N_NODES = 10000
N_EDGES = 320000
D_FEAT = 128


def setup_inputs(seed: int = 0) -> dict:
    key = jax.random.key(seed)
    k1, k2 = jax.random.split(key)
    feats = jax.random.normal(k1, (N_NODES, D_FEAT), dtype=jnp.float32)
    edge_index = jax.random.randint(k2, (2, N_EDGES), 0, N_NODES, dtype=jnp.int32)
    return {"feats": feats, "edge_index": edge_index}


def reference(feats, edge_index):
    # feats.view(-1, 1, d)
    x = feats.reshape(-1, 1, feats.shape[1])  # [N, 1, D]
    src = edge_index[0]
    dst = edge_index[1]
    # DGL fn.u_dot_v('ftl','ftr','dotp'): dot over last dim, keepdim -> [E, 1, 1]
    ftl = jnp.take(x, src, axis=0)  # [E, 1, D]
    ftr = jnp.take(x, dst, axis=0)  # [E, 1, D]
    dotp = jnp.sum(ftl * ftr, axis=-1, keepdims=True)  # [E, 1, 1]
    # exp(-1/100 * sum(|dotp|, dim=-1)) -> [E, 1]
    edge_data = jnp.exp(-1.0 / 100 * jnp.sum(jnp.abs(dotp), axis=-1))  # [E, 1]
    # edge_softmax over incoming edges of each destination node
    m = jax.ops.segment_max(edge_data, dst, num_segments=N_NODES)  # [N, 1]
    m = jnp.where(jnp.isfinite(m), m, 0.0)
    e = jnp.exp(edge_data - jnp.take(m, dst, axis=0))  # [E, 1]
    s = jax.ops.segment_sum(e, dst, num_segments=N_NODES)  # [N, 1]
    out = e / jnp.take(s, dst, axis=0)  # [E, 1]
    return out

if __name__ == "__main__":
    import jax
    _d = setup_inputs()
    print(jax.jit(kernel)(*tuple(_d.values())))

</pallas_src>

<mosaic_0001>
#map = affine_map<(d0, d1) -> (0, 0)>
#map1 = affine_map<(d0, d1) -> (0, 0, 0)>
#map2 = affine_map<(d0, d1) -> (0)>
module attributes {stable_mosaic.version = 14 : i64} {
  func.func @_body(%arg0: i32, %arg1: i32, %arg2: memref<10000x64xi32, #tpu.memory_space<hbm>>, %arg3: memref<32x125x80xi32, #tpu.memory_space<hbm>>, %arg4: memref<32x125x80xi32, #tpu.memory_space<hbm>>, %arg5: memref<10000xf32, #tpu.memory_space<hbm>>, %arg6: memref<2x10000xf32, #tpu.memory_space<hbm>>, %arg7: memref<32x125x80xf32, #tpu.memory_space<hbm>>, %arg8: memref<125x80xi32, #tpu.memory_space<vmem>>, %arg9: memref<125x80xi32, #tpu.memory_space<vmem>>, %arg10: memref<125x80xf32, #tpu.memory_space<vmem>>, %arg11: memref<2x80x64xi32, #tpu.memory_space<vmem>>, %arg12: memref<2x80x64xi32, #tpu.memory_space<vmem>>, %arg13: memref<125x80xf32, #tpu.memory_space<vmem>>, %arg14: memref<10000xf32, #tpu.memory_space<vmem>>, %arg15: memref<10000xf32, #tpu.memory_space<vmem>>, %arg16: memref<!tpu.dma_semaphore, #tpu.memory_space<semaphore_mem>>, %arg17: memref<!tpu.dma_semaphore, #tpu.memory_space<semaphore_mem>>, %arg18: memref<!tpu.dma_semaphore, #tpu.memory_space<semaphore_mem>>, %arg19: memref<!tpu.semaphore, #tpu.memory_space<semaphore_mem>>, %arg20: memref<10000xf32, #tpu.memory_space<vmem_shared>>) attributes {dimension_semantics = [#tpu.dimension_semantics<core_parallel>, #tpu.dimension_semantics<subcore_parallel>], iteration_bounds = array<i64: 2, 16>, scalar_prefetch = 0 : i64, scratch_operands = 13 : i64, tpu.core_type = #tpu.core_type<sc_vector_subcore>, window_params = [{transform_indices = #map}, {transform_indices = #map1}, {transform_indices = #map1}, {transform_indices = #map2}, {transform_indices = #map}, {transform_indices = #map1}]} {
    %mul3A = arith.constant 2 : i32
    %mul3A_0 = arith.muli %arg1, %mul3A : i32
    %add3A = arith.addi %mul3A_0, %arg0 : i32
    %eq3A = arith.constant 0 : i32
    %eq3A_1 = arith.cmpi eq, %arg1, %eq3A : i32
    %convert_element_type3A = arith.extui %eq3A_1 : i1 to i32
    %cond3A = arith.constant 0 : i32
    %cond3A_2 = arith.cmpi ne, %convert_element_type3A, %cond3A : i32
    scf.if %cond3A_2 {
      "tpu.region"() ({
        %run_scoped3A_68 = tpu.sem_alloc : memref<!tpu.dma_semaphore, #tpu.memory_space<semaphore_mem>>
        tpu.enqueue_dma source(%arg5 : memref<10000xf32, #tpu.memory_space<hbm>>) target(%arg20 : memref<10000xf32, #tpu.memory_space<vmem_shared>>) target_semaphore(%run_scoped3A_68 : memref<!tpu.dma_semaphore, #tpu.memory_space<semaphore_mem>>)
        tpu.wait_dma2 semaphore(%run_scoped3A_68 : memref<!tpu.dma_semaphore, #tpu.memory_space<semaphore_mem>>) src(%arg5 : memref<10000xf32, #tpu.memory_space<hbm>>) dst(%arg20 : memref<10000xf32, #tpu.memory_space<vmem_shared>>)
        tpu.yield
      }) : () -> ()
    } else {
    }
    %barrier3A = arith.constant 0 : index
    tpu.barrier barrier_id(%barrier3A)
    "tpu.region"() ({
      %run_scoped3A_68 = tpu.sem_alloc : memref<!tpu.dma_semaphore, #tpu.memory_space<semaphore_mem>>
      %dma_start3A_69 = arith.constant 0 : i32
      %dma_start3A_70 = arith.constant 0 : i32
      %dma_start3A_71 = tpu.memref_slice %arg3[%add3A, %dma_start3A_69, %dma_start3A_70] : memref<32x125x80xi32, #tpu.memory_space<hbm>> -> memref<1x125x80xi32, #tpu.memory_space<hbm>>
      %dma_start3A_72 = tpu.memref_squeeze %dma_start3A_71 : memref<1x125x80xi32, #tpu.memory_space<hbm>> -> memref<125x80xi32, #tpu.memory_space<hbm>>
      %dma_start3A_73 = arith.constant 0 : i32
      %dma_start3A_74 = arith.constant 0 : i32
      %dma_start3A_75 = tpu.memref_slice %arg3[%add3A, %dma_start3A_73, %dma_start3A_74] : memref<32x125x80xi32, #tpu.memory_space<hbm>> -> memref<1x125x80xi32, #tpu.memory_space<hbm>>
      %dma_start3A_76 = tpu.memref_squeeze %dma_start3A_75 : memref<1x125x80xi32, #tpu.memory_space<hbm>> -> memref<125x80xi32, #tpu.memory_space<hbm>>
      tpu.enqueue_dma source(%dma_start3A_76 : memref<125x80xi32, #tpu.memory_space<hbm>>) target(%arg8 : memref<125x80xi32, #tpu.memory_space<vmem>>) target_semaphore(%run_scoped3A_68 : memref<!tpu.dma_semaphore, #tpu.memory_space<semaphore_mem>>)
      %dma_wait3A = arith.constant 0 : i32
      %dma_wait3A_77 = arith.constant 0 : i32
      %dma_wait3A_78 = tpu.memref_slice %arg3[%add3A, %dma_wait3A, %dma_wait3A_77] : memref<32x125x80xi32, #tpu.memory_space<hbm>> -> memref<1x125x80xi32, #tpu.memory_space<hbm>>
      %dma_wait3A_79 = tpu.memref_squeeze %dma_wait3A_78 : memref<1x125x80xi32, #tpu.memory_space<hbm>> -> memref<125x80xi32, #tpu.memory_space<hbm>>
      %dma_wait3A_80 = arith.constant 0 : i32
      %dma_wait3A_81 = arith.constant 0 : i32
      %dma_wait3A_82 = tpu.memref_slice %arg3[%add3A, %dma_wait3A_80, %dma_wait3A_81] : memref<32x125x80xi32, #tpu.memory_space<hbm>> -> memref<1x125x80xi32, #tpu.memory_space<hbm>>
      %dma_wait3A_83 = tpu.memref_squeeze %dma_wait3A_82 : memref<1x125x80xi32, #tpu.memory_space<hbm>> -> memref<125x80xi32, #tpu.memory_space<hbm>>
      tpu.wait_dma2 semaphore(%run_scoped3A_68 : memref<!tpu.dma_semaphore, #tpu.memory_space<semaphore_mem>>) src(%dma_wait3A_83 : memref<125x80xi32, #tpu.memory_space<hbm>>) dst(%arg8 : memref<125x80xi32, #tpu.memory_space<vmem>>)
      tpu.yield
    }) : () -> ()
    "tpu.region"() ({
      %run_scoped3A_68 = tpu.sem_alloc : memref<!tpu.dma_semaphore, #tpu.memory_space<semaphore_mem>>
      %dma_start3A_69 = arith.constant 0 : i32
      %dma_start3A_70 = arith.constant 0 : i32
      %dma_start3A_71 = tpu.memref_slice %arg4[%add3A, %dma_start3A_69, %dma_start3A_70] : memref<32x125x80xi32, #tpu.memory_space<hbm>> -> memref<1x125x80xi32, #tpu.memory_space<hbm>>
      %dma_start3A_72 = tpu.memref_squeeze %dma_start3A_71 : memref<1x125x80xi32, #tpu.memory_space<hbm>> -> memref<125x80xi32, #tpu.memory_space<hbm>>
      %dma_start3A_73 = arith.constant 0 : i32
      %dma_start3A_74 = arith.constant 0 : i32
      %dma_start3A_75 = tpu.memref_slice %arg4[%add3A, %dma_start3A_73, %dma_start3A_74] : memref<32x125x80xi32, #tpu.memory_space<hbm>> -> memref<1x125x80xi32, #tpu.memory_space<hbm>>
      %dma_start3A_76 = tpu.memref_squeeze %dma_start3A_75 : memref<1x125x80xi32, #tpu.memory_space<hbm>> -> memref<125x80xi32, #tpu.memory_space<hbm>>
      tpu.enqueue_dma source(%dma_start3A_76 : memref<125x80xi32, #tpu.memory_space<hbm>>) target(%arg9 : memref<125x80xi32, #tpu.memory_space<vmem>>) target_semaphore(%run_scoped3A_68 : memref<!tpu.dma_semaphore, #tpu.memory_space<semaphore_mem>>)
      %dma_wait3A = arith.constant 0 : i32
      %dma_wait3A_77 = arith.constant 0 : i32
      %dma_wait3A_78 = tpu.memref_slice %arg4[%add3A, %dma_wait3A, %dma_wait3A_77] : memref<32x125x80xi32, #tpu.memory_space<hbm>> -> memref<1x125x80xi32, #tpu.memory_space<hbm>>
      %dma_wait3A_79 = tpu.memref_squeeze %dma_wait3A_78 : memref<1x125x80xi32, #tpu.memory_space<hbm>> -> memref<125x80xi32, #tpu.memory_space<hbm>>
      %dma_wait3A_80 = arith.constant 0 : i32
      %dma_wait3A_81 = arith.constant 0 : i32
      %dma_wait3A_82 = tpu.memref_slice %arg4[%add3A, %dma_wait3A_80, %dma_wait3A_81] : memref<32x125x80xi32, #tpu.memory_space<hbm>> -> memref<1x125x80xi32, #tpu.memory_space<hbm>>
      %dma_wait3A_83 = tpu.memref_squeeze %dma_wait3A_82 : memref<1x125x80xi32, #tpu.memory_space<hbm>> -> memref<125x80xi32, #tpu.memory_space<hbm>>
      tpu.wait_dma2 semaphore(%run_scoped3A_68 : memref<!tpu.dma_semaphore, #tpu.memory_space<semaphore_mem>>) src(%dma_wait3A_83 : memref<125x80xi32, #tpu.memory_space<hbm>>) dst(%arg9 : memref<125x80xi32, #tpu.memory_space<vmem>>)
      tpu.yield
    }) : () -> ()
    %dma_start3A = arith.constant 0 : i32
    %dma_start3A_3 = arith.constant 0 : i32
    %dma_start3A_4 = arith.constant 0 : i32
    %dma_start3A_5 = arith.constant 0 : i32
    %dma_start3A_6 = tpu.memref_slice %arg11[%dma_start3A_3, %dma_start3A_4, %dma_start3A_5] : memref<2x80x64xi32, #tpu.memory_space<vmem>> -> memref<1x80x64xi32, #tpu.memory_space<vmem>>
    %dma_start3A_7 = tpu.memref_squeeze %dma_start3A_6 : memref<1x80x64xi32, #tpu.memory_space<vmem>> -> memref<80x64xi32, #tpu.memory_space<vmem>>
    %dma_start3A_8 = arith.constant 0 : i32
    %dma_start3A_9 = tpu.memref_slice %arg8[%dma_start3A, %dma_start3A_8] : memref<125x80xi32, #tpu.memory_space<vmem>> -> memref<1x80xi32, #tpu.memory_space<vmem>>
    %dma_start3A_10 = tpu.memref_squeeze %dma_start3A_9 : memref<1x80xi32, #tpu.memory_space<vmem>> -> memref<80xi32, #tpu.memory_space<vmem>>
    %dma_start3A_11 = arith.constant 0 : i32
    %dma_start3A_12 = arith.constant 0 : i32
    %dma_start3A_13 = tpu.memref_slice %arg2[%dma_start3A_11, %dma_start3A_12] : memref<10000x64xi32, #tpu.memory_space<hbm>> -> memref<10000x64xi32, #tpu.memory_space<hbm>>
    tpu.enqueue_indirect_dma source(%dma_start3A_13 : memref<10000x64xi32, #tpu.memory_space<hbm>>) target(%dma_start3A_7 : memref<80x64xi32, #tpu.memory_space<vmem>>) offsets(%dma_start3A_10 : memref<80xi32, #tpu.memory_space<vmem>>) semaphore(%arg16 : memref<!tpu.dma_semaphore, #tpu.memory_space<semaphore_mem>>)
    %dma_start3A_14 = arith.constant 0 : i32
    %dma_start3A_15 = arith.constant 0 : i32
    %dma_start3A_16 = arith.constant 0 : i32
    %dma_start3A_17 = arith.constant 0 : i32
    %dma_start3A_18 = tpu.memref_slice %arg12[%dma_start3A_15, %dma_start3A_16, %dma_start3A_17] : memref<2x80x64xi32, #tpu.memory_space<vmem>> -> memref<1x80x64xi32, #tpu.memory_space<vmem>>
    %dma_start3A_19 = tpu.memref_squeeze %dma_start3A_18 : memref<1x80x64xi32, #tpu.memory_space<vmem>> -> memref<80x64xi32, #tpu.memory_space<vmem>>
    %dma_start3A_20 = arith.constant 0 : i32
    %dma_start3A_21 = tpu.memref_slice %arg9[%dma_start3A_14, %dma_start3A_20] : memref<125x80xi32, #tpu.memory_space<vmem>> -> memref<1x80xi32, #tpu.memory_space<vmem>>
    %dma_start3A_22 = tpu.memref_squeeze %dma_start3A_21 : memref<1x80xi32, #tpu.memory_space<vmem>> -> memref<80xi32, #tpu.memory_space<vmem>>
    %dma_start3A_23 = arith.constant 0 : i32
    %dma_start3A_24 = arith.constant 0 : i32
    %dma_start3A_25 = tpu.memref_slice %arg2[%dma_start3A_23, %dma_start3A_24] : memref<10000x64xi32, #tpu.memory_space<hbm>> -> memref<10000x64xi32, #tpu.memory_space<hbm>>
    tpu.enqueue_indirect_dma source(%dma_start3A_25 : memref<10000x64xi32, #tpu.memory_space<hbm>>) target(%dma_start3A_19 : memref<80x64xi32, #tpu.memory_space<vmem>>) offsets(%dma_start3A_22 : memref<80xi32, #tpu.memory_space<vmem>>) semaphore(%arg17 : memref<!tpu.dma_semaphore, #tpu.memory_space<semaphore_mem>>)
    %scan3A = arith.constant 0 : i32
    %scan3A_26 = arith.constant 0 : i32
    %scan3A_27 = arith.constant 125 : i32
    %scan3A_28 = arith.addi %scan3A_26, %scan3A_27 : i32
    %scan3A_29 = arith.constant 1 : i32
    %scan3A_30 = scf.for %scan3A_68 = %scan3A_26 to %scan3A_28 step %scan3A_29 iter_args(%scan3A_69 = %scan3A) -> (i32)  : i32 {
      %rem3A = arith.constant 2 : i32
      %rem3A_70 = arith.remsi %scan3A_68, %rem3A : i32
      %dma_wait3A = arith.constant 0 : i32
      %dma_wait3A_71 = arith.constant 0 : i32
      %dma_wait3A_72 = tpu.memref_slice %arg11[%rem3A_70, %dma_wait3A, %dma_wait3A_71] : memref<2x80x64xi32, #tpu.memory_space<vmem>> -> memref<1x80x64xi32, #tpu.memory_space<vmem>>
      %dma_wait3A_73 = tpu.memref_squeeze %dma_wait3A_72 : memref<1x80x64xi32, #tpu.memory_space<vmem>> -> memref<80x64xi32, #tpu.memory_space<vmem>>
      %dma_wait3A_74 = arith.constant 0 : i32
      %dma_wait3A_75 = tpu.memref_slice %arg8[%scan3A_68, %dma_wait3A_74] : memref<125x80xi32, #tpu.memory_space<vmem>> -> memref<1x80xi32, #tpu.memory_space<vmem>>
      %dma_wait3A_76 = tpu.memref_squeeze %dma_wait3A_75 : memref<1x80xi32, #tpu.memory_space<vmem>> -> memref<80xi32, #tpu.memory_space<vmem>>
      %dma_wait3A_77 = arith.constant 0 : i32
      %dma_wait3A_78 = arith.constant 0 : i32
      %dma_wait3A_79 = tpu.memref_slice %arg2[%dma_wait3A_77, %dma_wait3A_78] : memref<10000x64xi32, #tpu.memory_space<hbm>> -> memref<10000x64xi32, #tpu.memory_space<hbm>>
      tpu.wait_indirect_dma semaphore(%arg16 : memref<!tpu.dma_semaphore, #tpu.memory_space<semaphore_mem>>) src(%dma_wait3A_79 : memref<10000x64xi32, #tpu.memory_space<hbm>>) dst(%dma_wait3A_73 : memref<80x64xi32, #tpu.memory_space<vmem>>)
      %dma_wait3A_80 = arith.constant 0 : i32
      %dma_wait3A_81 = arith.constant 0 : i32
      %dma_wait3A_82 = tpu.memref_slice %arg12[%rem3A_70, %dma_wait3A_80, %dma_wait3A_81] : memref<2x80x64xi32, #tpu.memory_space<vmem>> -> memref<1x80x64xi32, #tpu.memory_space<vmem>>
      %dma_wait3A_83 = tpu.memref_squeeze %dma_wait3A_82 : memref<1x80x64xi32, #tpu.memory_space<vmem>> -> memref<80x64xi32, #tpu.memory_space<vmem>>
      %dma_wait3A_84 = arith.constant 0 : i32
      %dma_wait3A_85 = tpu.memref_slice %arg9[%scan3A_68, %dma_wait3A_84] : memref<125x80xi32, #tpu.memory_space<vmem>> -> memref<1x80xi32, #tpu.memory_space<vmem>>
      %dma_wait3A_86 = tpu.memref_squeeze %dma_wait3A_85 : memref<1x80xi32, #tpu.memory_space<vmem>> -> memref<80xi32, #tpu.memory_space<vmem>>
      %dma_wait3A_87 = arith.constant 0 : i32
      %dma_wait3A_88 = arith.constant 0 : i32
      %dma_wait3A_89 = tpu.memref_slice %arg2[%dma_wait3A_87, %dma_wait3A_88] : memref<10000x64xi32, #tpu.memory_space<hbm>> -> memref<10000x64xi32, #tpu.memory_space<hbm>>
      tpu.wait_indirect_dma semaphore(%arg17 : memref<!tpu.dma_semaphore, #tpu.memory_space<semaphore_mem>>) src(%dma_wait3A_89 : memref<10000x64xi32, #tpu.memory_space<hbm>>) dst(%dma_wait3A_83 : memref<80x64xi32, #tpu.memory_space<vmem>>)
      %add3A_90 = arith.constant 1 : i32
      %add3A_91 = arith.addi %scan3A_68, %add3A_90 : i32
      %lt3A = arith.constant 125 : i32
      %lt3A_92 = arith.cmpi slt, %add3A_91, %lt3A : i32
      %convert_element_type3A_93 = arith.extui %lt3A_92 : i1 to i32
      %cond3A_94 = arith.constant 0 : i32
      %cond3A_95 = arith.cmpi ne, %convert_element_type3A_93, %cond3A_94 : i32
      scf.if %cond3A_95 {
        %add3A_104 = arith.constant 1 : i32
        %add3A_105 = arith.addi %scan3A_68, %add3A_104 : i32
        %sub3A = arith.constant 1 : i32
        %sub3A_106 = arith.subi %sub3A, %rem3A_70 : i32
        %dma_start3A_107 = arith.constant 0 : i32
        %dma_start3A_108 = arith.constant 0 : i32
        %dma_start3A_109 = tpu.memref_slice %arg11[%sub3A_106, %dma_start3A_107, %dma_start3A_108] : memref<2x80x64xi32, #tpu.memory_space<vmem>> -> memref<1x80x64xi32, #tpu.memory_space<vmem>>
        %dma_start3A_110 = tpu.memref_squeeze %dma_start3A_109 : memref<1x80x64xi32, #tpu.memory_space<vmem>> -> memref<80x64xi32, #tpu.memory_space<vmem>>
        %dma_start3A_111 = arith.constant 0 : i32
        %dma_start3A_112 = tpu.memref_slice %arg8[%add3A_105, %dma_start3A_111] : memref<125x80xi32, #tpu.memory_space<vmem>> -> memref<1x80xi32, #tpu.memory_space<vmem>>
        %dma_start3A_113 = tpu.memref_squeeze %dma_start3A_112 : memref<1x80xi32, #tpu.memory_space<vmem>> -> memref<80xi32, #tpu.memory_space<vmem>>
        %dma_start3A_114 = arith.constant 0 : i32
        %dma_start3A_115 = arith.constant 0 : i32
        %dma_start3A_116 = tpu.memref_slice %arg2[%dma_start3A_114, %dma_start3A_115] : memref<10000x64xi32, #tpu.memory_space<hbm>> -> memref<10000x64xi32, #tpu.memory_space<hbm>>
        tpu.enqueue_indirect_dma source(%dma_start3A_116 : memref<10000x64xi32, #tpu.memory_space<hbm>>) target(%dma_start3A_110 : memref<80x64xi32, #tpu.memory_space<vmem>>) offsets(%dma_start3A_113 : memref<80xi32, #tpu.memory_space<vmem>>) semaphore(%arg16 : memref<!tpu.dma_semaphore, #tpu.memory_space<semaphore_mem>>)
        %dma_start3A_117 = arith.constant 0 : i32
        %dma_start3A_118 = arith.constant 0 : i32
        %dma_start3A_119 = tpu.memref_slice %arg12[%sub3A_106, %dma_start3A_117, %dma_start3A_118] : memref<2x80x64xi32, #tpu.memory_space<vmem>> -> memref<1x80x64xi32, #tpu.memory_space<vmem>>
        %dma_start3A_120 = tpu.memref_squeeze %dma_start3A_119 : memref<1x80x64xi32, #tpu.memory_space<vmem>> -> memref<80x64xi32, #tpu.memory_space<vmem>>
        %dma_start3A_121 = arith.constant 0 : i32
        %dma_start3A_122 = tpu.memref_slice %arg9[%add3A_105, %dma_start3A_121] : memref<125x80xi32, #tpu.memory_space<vmem>> -> memref<1x80xi32, #tpu.memory_space<vmem>>
        %dma_start3A_123 = tpu.memref_squeeze %dma_start3A_122 : memref<1x80xi32, #tpu.memory_space<vmem>> -> memref<80xi32, #tpu.memory_space<vmem>>
        %dma_start3A_124 = arith.constant 0 : i32
        %dma_start3A_125 = arith.constant 0 : i32
        %dma_start3A_126 = tpu.memref_slice %arg2[%dma_start3A_124, %dma_start3A_125] : memref<10000x64xi32, #tpu.memory_space<hbm>> -> memref<10000x64xi32, #tpu.memory_space<hbm>>
        tpu.enqueue_indirect_dma source(%dma_start3A_126 : memref<10000x64xi32, #tpu.memory_space<hbm>>) target(%dma_start3A_120 : memref<80x64xi32, #tpu.memory_space<vmem>>) offsets(%dma_start3A_123 : memref<80xi32, #tpu.memory_space<vmem>>) semaphore(%arg17 : memref<!tpu.dma_semaphore, #tpu.memory_space<semaphore_mem>>)
      } else {
      }
      %scan3A_96 = arith.constant 0 : i32
      %scan3A_97 = arith.constant 0 : i32
      %scan3A_98 = arith.constant 5 : i32
      %scan3A_99 = arith.addi %scan3A_97, %scan3A_98 : i32
      %scan3A_100 = arith.constant 1 : i32
      %scan3A_101 = scf.for %scan3A_104 = %scan3A_97 to %scan3A_99 step %scan3A_100 iter_args(%scan3A_105 = %scan3A_96) -> (i32)  : i32 {
        %iota3A = tpu.iota {dimensions = array<i32: 0>} : vector<16xi32>
        %mul3A_106 = arith.constant 16 : i32
        %mul3A_107 = arith.muli %scan3A_104, %mul3A_106 : i32
        %add3A_108 = vector.broadcast %mul3A_107 : i32 to vector<16xi32>
        %add3A_109 = arith.addi %iota3A, %add3A_108 : vector<16xi32>
        %iota3A_110 = tpu.iota {dimensions = array<i32: 0>} : vector<16xi32>
        %broadcast_in_dim3A = arith.constant 0.000000e+00 : f32
        %broadcast_in_dim3A_111 = vector.broadcast %broadcast_in_dim3A : f32 to vector<16xf32>
        %scan3A_112 = arith.constant 0 : i32
        %scan3A_113 = arith.constant 8 : i32
        %scan3A_114 = arith.addi %scan3A_112, %scan3A_113 : i32
        %scan3A_115 = arith.constant 1 : i32
        %scan3A_116:4 = scf.for %scan3A_130 = %scan3A_112 to %scan3A_114 step %scan3A_115 iter_args(%scan3A_131 = %broadcast_in_dim3A_111, %scan3A_132 = %broadcast_in_dim3A_111, %scan3A_133 = %broadcast_in_dim3A_111, %scan3A_134 = %broadcast_in_dim3A_111) -> (vector<16xf32>, vector<16xf32>, vector<16xf32>, vector<16xf32>)  : i32 {
          %mul3A_135 = arith.constant 8 : i32
          %mul3A_136 = arith.muli %scan3A_130, %mul3A_135 : i32
          %add3A_137 = arith.constant 0 : i32
          %add3A_138 = arith.addi %add3A_137, %mul3A_136 : i32
          %xor3A = vector.broadcast %add3A_138 : i32 to vector<16xi32>
          %xor3A_139 = arith.xori %iota3A_110, %xor3A : vector<16xi32>
          %gather3A = arith.constant 0 : i32
          %gather3A_140 = arith.constant 0 : i32
          %gather3A_141 = tpu.memref_slice %arg11[%rem3A_70, %gather3A, %gather3A_140] : memref<2x80x64xi32, #tpu.memory_space<vmem>> -> memref<1x80x64xi32, #tpu.memory_space<vmem>>
          %gather3A_142 = tpu.memref_squeeze %gather3A_141 : memref<1x80x64xi32, #tpu.memory_space<vmem>> -> memref<80x64xi32, #tpu.memory_space<vmem>>
          %gather3A_143 = tpu.vector_load_idx %gather3A_142[%add3A_109, %xor3A_139] : memref<80x64xi32, #tpu.memory_space<vmem>>[vector<16xi32>, vector<16xi32>], vector<16xi32>,
          %gather3A_144 = arith.constant 0 : i32
          %gather3A_145 = arith.constant 0 : i32
          %gather3A_146 = tpu.memref_slice %arg12[%rem3A_70, %gather3A_144, %gather3A_145] : memref<2x80x64xi32, #tpu.memory_space<vmem>> -> memref<1x80x64xi32, #tpu.memory_space<vmem>>
          %gather3A_147 = tpu.memref_squeeze %gather3A_146 : memref<1x80x64xi32, #tpu.memory_space<vmem>> -> memref<80x64xi32, #tpu.memory_space<vmem>>
          %gather3A_148 = tpu.vector_load_idx %gather3A_147[%add3A_109, %xor3A_139] : memref<80x64xi32, #tpu.memory_space<vmem>>[vector<16xi32>, vector<16xi32>], vector<16xi32>,
          %bitcast3A = vector.bitcast %gather3A_143 : vector<16xi32> to vector<32xbf16>
          %bitcast3A_149 = vector.bitcast %gather3A_148 : vector<16xi32> to vector<32xbf16>
          %mul3A_150 = arith.mulf %bitcast3A, %bitcast3A_149 : vector<32xbf16>
          %unpack3A = tpu.unpack_subelements %mul3A_150, 0 {pack_format = #tpu.pack_format<interleaved>} : vector<32xbf16> -> vector<16xf32>
          %unpack3A_151 = tpu.unpack_subelements %mul3A_150, 1 {pack_format = #tpu.pack_format<interleaved>} : vector<32xbf16> -> vector<16xf32>
          %add3A_152 = arith.addf %scan3A_131, %unpack3A : vector<16xf32>
          %add3A_153 = arith.addf %scan3A_132, %unpack3A_151 : vector<16xf32>
          %mul3A_154 = arith.constant 8 : i32
          %mul3A_155 = arith.muli %scan3A_130, %mul3A_154 : i32
          %add3A_156 = arith.constant 1 : i32
          %add3A_157 = arith.addi %add3A_156, %mul3A_155 : i32
          %xor3A_158 = vector.broadcast %add3A_157 : i32 to vector<16xi32>
          %xor3A_159 = arith.xori %iota3A_110, %xor3A_158 : vector<16xi32>
          %gather3A_160 = arith.constant 0 : i32
          %gather3A_161 = arith.constant 0 : i32
          %gather3A_162 = tpu.memref_slice %arg11[%rem3A_70, %gather3A_160, %gather3A_161] : memref<2x80x64xi32, #tpu.memory_space<vmem>> -> memref<1x80x64xi32, #tpu.memory_space<vmem>>
          %gather3A_163 = tpu.memref_squeeze %gather3A_162 : memref<1x80x64xi32, #tpu.memory_space<vmem>> -> memref<80x64xi32, #tpu.memory_space<vmem>>
          %gather3A_164 = tpu.vector_load_idx %gather3A_163[%add3A_109, %xor3A_159] : memref<80x64xi32, #tpu.memory_space<vmem>>[vector<16xi32>, vector<16xi32>], vector<16xi32>,
          %gather3A_165 = arith.constant 0 : i32
          %gather3A_166 = arith.constant 0 : i32
          %gather3A_167 = tpu.memref_slice %arg12[%rem3A_70, %gather3A_165, %gather3A_166] : memref<2x80x64xi32, #tpu.memory_space<vmem>> -> memref<1x80x64xi32, #tpu.memory_space<vmem>>
          %gather3A_168 = tpu.memref_squeeze %gather3A_167 : memref<1x80x64xi32, #tpu.memory_space<vmem>> -> memref<80x64xi32, #tpu.memory_space<vmem>>
          %gather3A_169 = tpu.vector_load_idx %gather3A_168[%add3A_109, %xor3A_159] : memref<80x64xi32, #tpu.memory_space<vmem>>[vector<16xi32>, vector<16xi32>], vector<16xi32>,
          %bitcast3A_170 = vector.bitcast %gather3A_164 : vector<16xi32> to vector<32xbf16>
          %bitcast3A_171 = vector.bitcast %gather3A_169 : vector<16xi32> to vector<32xbf16>
          %mul3A_172 = arith.mulf %bitcast3A_170, %bitcast3A_171 : vector<32xbf16>
          %unpack3A_173 = tpu.unpack_subelements %mul3A_172, 0 {pack_format = #tpu.pack_format<interleaved>} : vector<32xbf16> -> vector<16xf32>
          %unpack3A_174 = tpu.unpack_subelements %mul3A_172, 1 {pack_format = #tpu.pack_format<interleaved>} : vector<32xbf16> -> vector<16xf32>
          %add3A_175 = arith.addf %scan3A_133, %unpack3A_173 : vector<16xf32>
          %add3A_176 = arith.addf %scan3A_134, %unpack3A_174 : vector<16xf32>
          %mul3A_177 = arith.constant 8 : i32
          %mul3A_178 = arith.muli %scan3A_130, %mul3A_177 : i32
          %add3A_179 = arith.constant 2 : i32
          %add3A_180 = arith.addi %add3A_179, %mul3A_178 : i32
          %xor3A_181 = vector.broadcast %add3A_180 : i32 to vector<16xi32>
          %xor3A_182 = arith.xori %iota3A_110, %xor3A_181 : vector<16xi32>
          %gather3A_183 = arith.constant 0 : i32
          %gather3A_184 = arith.constant 0 : i32
          %gather3A_185 = tpu.memref_slice %arg11[%rem3A_70, %gather3A_183, %gather3A_184] : memref<2x80x64xi32, #tpu.memory_space<vmem>> -> memref<1x80x64xi32, #tpu.memory_space<vmem>>
          %gather3A_186 = tpu.memref_squeeze %gather3A_185 : memref<1x80x64xi32, #tpu.memory_space<vmem>> -> memref<80x64xi32, #tpu.memory_space<vmem>>
          %gather3A_187 = tpu.vector_load_idx %gather3A_186[%add3A_109, %xor3A_182] : memref<80x64xi32, #tpu.memory_space<vmem>>[vector<16xi32>, vector<16xi32>], vector<16xi32>,
          %gather3A_188 = arith.constant 0 : i32
          %gather3A_189 = arith.constant 0 : i32
          %gather3A_190 = tpu.memref_slice %arg12[%rem3A_70, %gather3A_188, %gather3A_189] : memref<2x80x64xi32, #tpu.memory_space<vmem>> -> memref<1x80x64xi32, #tpu.memory_space<vmem>>
          %gather3A_191 = tpu.memref_squeeze %gather3A_190 : memref<1x80x64xi32, #tpu.memory_space<vmem>> -> memref<80x64xi32, #tpu.memory_space<vmem>>
          %gather3A_192 = tpu.vector_load_idx %gather3A_191[%add3A_109, %xor3A_182] : memref<80x64xi32, #tpu.memory_space<vmem>>[vector<16xi32>, vector<16xi32>], vector<16xi32>,
          %bitcast3A_193 = vector.bitcast %gather3A_187 : vector<16xi32> to vector<32xbf16>
          %bitcast3A_194 = vector.bitcast %gather3A_192 : vector<16xi32> to vector<32xbf16>
          %mul3A_195 = arith.mulf %bitcast3A_193, %bitcast3A_194 : vector<32xbf16>
          %unpack3A_196 = tpu.unpack_subelements %mul3A_195, 0 {pack_format = #tpu.pack_format<interleaved>} : vector<32xbf16> -> vector<16xf32>
          %unpack3A_197 = tpu.unpack_subelements %mul3A_195, 1 {pack_format = #tpu.pack_format<interleaved>} : vector<32xbf16> -> vector<16xf32>
          %add3A_198 = arith.addf %add3A_152, %unpack3A_196 : vector<16xf32>
          %add3A_199 = arith.addf %add3A_153, %unpack3A_197 : vector<16xf32>
          %mul3A_200 = arith.constant 8 : i32
          %mul3A_201 = arith.muli %scan3A_130, %mul3A_200 : i32
          %add3A_202 = arith.constant 3 : i32
          %add3A_203 = arith.addi %add3A_202, %mul3A_201 : i32
          %xor3A_204 = vector.broadcast %add3A_203 : i32 to vector<16xi32>
          %xor3A_205 = arith.xori %iota3A_110, %xor3A_204 : vector<16xi32>
          %gather3A_206 = arith.constant 0 : i32
          %gather3A_207 = arith.constant 0 : i32
          %gather3A_208 = tpu.memref_slice %arg11[%rem3A_70, %gather3A_206, %gather3A_207] : memref<2x80x64xi32, #tpu.memory_space<vmem>> -> memref<1x80x64xi32, #tpu.memory_space<vmem>>
          %gather3A_209 = tpu.memref_squeeze %gather3A_208 : memref<1x80x64xi32, #tpu.memory_space<vmem>> -> memref<80x64xi32, #tpu.memory_space<vmem>>
          %gather3A_210 = tpu.vector_load_idx %gather3A_209[%add3A_109, %xor3A_205] : memref<80x64xi32, #tpu.memory_space<vmem>>[vector<16xi32>, vector<16xi32>], vector<16xi32>,
          %gather3A_211 = arith.constant 0 : i32
          %gather3A_212 = arith.constant 0 : i32
          %gather3A_213 = tpu.memref_slice %arg12[%rem3A_70, %gather3A_211, %gather3A_212] : memref<2x80x64xi32, #tpu.memory_space<vmem>> -> memref<1x80x64xi32, #tpu.memory_space<vmem>>
          %gather3A_214 = tpu.memref_squeeze %gather3A_213 : memref<1x80x64xi32, #tpu.memory_space<vmem>> -> memref<80x64xi32, #tpu.memory_space<vmem>>
          %gather3A_215 = tpu.vector_load_idx %gather3A_214[%add3A_109, %xor3A_205] : memref<80x64xi32, #tpu.memory_space<vmem>>[vector<16xi32>, vector<16xi32>], vector<16xi32>,
          %bitcast3A_216 = vector.bitcast %gather3A_210 : vector<16xi32> to vector<32xbf16>
          %bitcast3A_217 = vector.bitcast %gather3A_215 : vector<16xi32> to vector<32xbf16>
          %mul3A_218 = arith.mulf %bitcast3A_216, %bitcast3A_217 : vector<32xbf16>
          %unpack3A_219 = tpu.unpack_subelements %mul3A_218, 0 {pack_format = #tpu.pack_format<interleaved>} : vector<32xbf16> -> vector<16xf32>
          %unpack3A_220 = tpu.unpack_subelements %mul3A_218, 1 {pack_format = #tpu.pack_format<interleaved>} : vector<32xbf16> -> vector<16xf32>
          %add3A_221 = arith.addf %add3A_175, %unpack3A_219 : vector<16xf32>
          %add3A_222 = arith.addf %add3A_176, %unpack3A_220 : vector<16xf32>
          %mul3A_223 = arith.constant 8 : i32
          %mul3A_224 = arith.muli %scan3A_130, %mul3A_223 : i32
          %add3A_225 = arith.constant 4 : i32
          %add3A_226 = arith.addi %add3A_225, %mul3A_224 : i32
          %xor3A_227 = vector.broadcast %add3A_226 : i32 to vector<16xi32>
          %xor3A_228 = arith.xori %iota3A_110, %xor3A_227 : vector<16xi32>
          %gather3A_229 = arith.constant 0 : i32
          %gather3A_230 = arith.constant 0 : i32
          %gather3A_231 = tpu.memref_slice %arg11[%rem3A_70, %gather3A_229, %gather3A_230] : memref<2x80x64xi32, #tpu.memory_space<vmem>> -> memref<1x80x64xi32, #tpu.memory_space<vmem>>
          %gather3A_232 = tpu.memref_squeeze %gather3A_231 : memref<1x80x64xi32, #tpu.memory_space<vmem>> -> memref<80x64xi32, #tpu.memory_space<vmem>>
          %gather3A_233 = tpu.vector_load_idx %gather3A_232[%add3A_109, %xor3A_228] : memref<80x64xi32, #tpu.memory_space<vmem>>[vector<16xi32>, vector<16xi32>], vector<16xi32>,
          %gather3A_234 = arith.constant 0 : i32
          %gather3A_235 = arith.constant 0 : i32
          %gather3A_236 = tpu.memref_slice %arg12[%rem3A_70, %gather3A_234, %gather3A_235] : memref<2x80x64xi32, #tpu.memory_space<vmem>> -> memref<1x80x64xi32, #tpu.memory_space<vmem>>
          %gather3A_237 = tpu.memref_squeeze %gather3A_236 : memref<1x80x64xi32, #tpu.memory_space<vmem>> -> memref<80x64xi32, #tpu.memory_space<vmem>>
          %gather3A_238 = tpu.vector_load_idx %gather3A_237[%add3A_109, %xor3A_228] : memref<80x64xi32, #tpu.memory_space<vmem>>[vector<16xi32>, vector<16xi32>], vector<16xi32>,
          %bitcast3A_239 = vector.bitcast %gather3A_233 : vector<16xi32> to vector<32xbf16>
          %bitcast3A_240 = vector.bitcast %gather3A_238 : vector<16xi32> to vector<32xbf16>
          %mul3A_241 = arith.mulf %bitcast3A_239, %bitcast3A_240 : vector<32xbf16>
          %unpack3A_242 = tpu.unpack_subelements %mul3A_241, 0 {pack_format = #tpu.pack_format<interleaved>} : vector<32xbf16> -> vector<16xf32>
          %unpack3A_243 = tpu.unpack_subelements %mul3A_241, 1 {pack_format = #tpu.pack_format<interleaved>} : vector<32xbf16> -> vector<16xf32>
          %add3A_244 = arith.addf %add3A_198, %unpack3A_242 : vector<16xf32>
          %add3A_245 = arith.addf %add3A_199, %unpack3A_243 : vector<16xf32>
          %mul3A_246 = arith.constant 8 : i32
          %mul3A_247 = arith.muli %scan3A_130, %mul3A_246 : i32
          %add3A_248 = arith.constant 5 : i32
          %add3A_249 = arith.addi %add3A_248, %mul3A_247 : i32
          %xor3A_250 = vector.broadcast %add3A_249 : i32 to vector<16xi32>
          %xor3A_251 = arith.xori %iota3A_110, %xor3A_250 : vector<16xi32>
          %gather3A_252 = arith.constant 0 : i32
          %gather3A_253 = arith.constant 0 : i32
          %gather3A_254 = tpu.memref_slice %arg11[%rem3A_70, %gather3A_252, %gather3A_253] : memref<2x80x64xi32, #tpu.memory_space<vmem>> -> memref<1x80x64xi32, #tpu.memory_space<vmem>>
          %gather3A_255 = tpu.memref_squeeze %gather3A_254 : memref<1x80x64xi32, #tpu.memory_space<vmem>> -> memref<80x64xi32, #tpu.memory_space<vmem>>
          %gather3A_256 = tpu.vector_load_idx %gather3A_255[%add3A_109, %xor3A_251] : memref<80x64xi32, #tpu.memory_space<vmem>>[vector<16xi32>, vector<16xi32>], vector<16xi32>,
          %gather3A_257 = arith.constant 0 : i32
          %gather3A_258 = arith.constant 0 : i32
          %gather3A_259 = tpu.memref_slice %arg12[%rem3A_70, %gather3A_257, %gather3A_258] : memref<2x80x64xi32, #tpu.memory_space<vmem>> -> memref<1x80x64xi32, #tpu.memory_space<vmem>>
          %gather3A_260 = tpu.memref_squeeze %gather3A_259 : memref<1x80x64xi32, #tpu.memory_space<vmem>> -> memref<80x64xi32, #tpu.memory_space<vmem>>
          %gather3A_261 = tpu.vector_load_idx %gather3A_260[%add3A_109, %xor3A_251] : memref<80x64xi32, #tpu.memory_space<vmem>>[vector<16xi32>, vector<16xi32>], vector<16xi32>,
          %bitcast3A_262 = vector.bitcast %gather3A_256 : vector<16xi32> to vector<32xbf16>
          %bitcast3A_263 = vector.bitcast %gather3A_261 : vector<16xi32> to vector<32xbf16>
          %mul3A_264 = arith.mulf %bitcast3A_262, %bitcast3A_263 : vector<32xbf16>
          %unpack3A_265 = tpu.unpack_subelements %mul3A_264, 0 {pack_format = #tpu.pack_format<interleaved>} : vector<32xbf16> -> vector<16xf32>
          %unpack3A_266 = tpu.unpack_subelements %mul3A_264, 1 {pack_format = #tpu.pack_format<interleaved>} : vector<32xbf16> -> vector<16xf32>
          %add3A_267 = arith.addf %add3A_221, %unpack3A_265 : vector<16xf32>
          %add3A_268 = arith.addf %add3A_222, %unpack3A_266 : vector<16xf32>
          %mul3A_269 = arith.constant 8 : i32
          %mul3A_270 = arith.muli %scan3A_130, %mul3A_269 : i32
          %add3A_271 = arith.constant 6 : i32
          %add3A_272 = arith.addi %add3A_271, %mul3A_270 : i32
          %xor3A_273 = vector.broadcast %add3A_272 : i32 to vector<16xi32>
          %xor3A_274 = arith.xori %iota3A_110, %xor3A_273 : vector<16xi32>
          %gather3A_275 = arith.constant 0 : i32
          %gather3A_276 = arith.constant 0 : i32
          %gather3A_277 = tpu.memref_slice %arg11[%rem3A_70, %gather3A_275, %gather3A_276] : memref<2x80x64xi32, #tpu.memory_space<vmem>> -> memref<1x80x64xi32, #tpu.memory_space<vmem>>
          %gather3A_278 = tpu.memref_squeeze %gather3A_277 : memref<1x80x64xi32, #tpu.memory_space<vmem>> -> memref<80x64xi32, #tpu.memory_space<vmem>>
          %gather3A_279 = tpu.vector_load_idx %gather3A_278[%add3A_109, %xor3A_274] : memref<80x64xi32, #tpu.memory_space<vmem>>[vector<16xi32>, vector<16xi32>], vector<16xi32>,
          %gather3A_280 = arith.constant 0 : i32
          %gather3A_281 = arith.constant 0 : i32
          %gather3A_282 = tpu.memref_slice %arg12[%rem3A_70, %gather3A_280, %gather3A_281] : memref<2x80x64xi32, #tpu.memory_space<vmem>> -> memref<1x80x64xi32, #tpu.memory_space<vmem>>
          %gather3A_283 = tpu.memref_squeeze %gather3A_282 : memref<1x80x64xi32, #tpu.memory_space<vmem>> -> memref<80x64xi32, #tpu.memory_space<vmem>>
          %gather3A_284 = tpu.vector_load_idx %gather3A_283[%add3A_109, %xor3A_274] : memref<80x64xi32, #tpu.memory_space<vmem>>[vector<16xi32>, vector<16xi32>], vector<16xi32>,
          %bitcast3A_285 = vector.bitcast %gather3A_279 : vector<16xi32> to vector<32xbf16>
          %bitcast3A_286 = vector.bitcast %gather3A_284 : vector<16xi32> to vector<32xbf16>
          %mul3A_287 = arith.mulf %bitcast3A_285, %bitcast3A_286 : vector<32xbf16>
          %unpack3A_288 = tpu.unpack_subelements %mul3A_287, 0 {pack_format = #tpu.pack_format<interleaved>} : vector<32xbf16> -> vector<16xf32>
          %unpack3A_289 = tpu.unpack_subelements %mul3A_287, 1 {pack_format = #tpu.pack_format<interleaved>} : vector<32xbf16> -> vector<16xf32>
          %add3A_290 = arith.addf %add3A_244, %unpack3A_288 : vector<16xf32>
          %add3A_291 = arith.addf %add3A_245, %unpack3A_289 : vector<16xf32>
          %mul3A_292 = arith.constant 8 : i32
          %mul3A_293 = arith.muli %scan3A_130, %mul3A_292 : i32
          %add3A_294 = arith.constant 7 : i32
          %add3A_295 = arith.addi %add3A_294, %mul3A_293 : i32
          %xor3A_296 = vector.broadcast %add3A_295 : i32 to vector<16xi32>
          %xor3A_297 = arith.xori %iota3A_110, %xor3A_296 : vector<16xi32>
          %gather3A_298 = arith.constant 0 : i32
          %gather3A_299 = arith.constant 0 : i32
          %gather3A_300 = tpu.memref_slice %arg11[%rem3A_70, %gather3A_298, %gather3A_299] : memref<2x80x64xi32, #tpu.memory_space<vmem>> -> memref<1x80x64xi32, #tpu.memory_space<vmem>>
          %gather3A_301 = tpu.memref_squeeze %gather3A_300 : memref<1x80x64xi32, #tpu.memory_space<vmem>> -> memref<80x64xi32, #tpu.memory_space<vmem>>
          %gather3A_302 = tpu.vector_load_idx %gather3A_301[%add3A_109, %xor3A_297] : memref<80x64xi32, #tpu.memory_space<vmem>>[vector<16xi32>, vector<16xi32>], vector<16xi32>,
          %gather3A_303 = arith.constant 0 : i32
          %gather3A_304 = arith.constant 0 : i32
          %gather3A_305 = tpu.memref_slice %arg12[%rem3A_70, %gather3A_303, %gather3A_304] : memref<2x80x64xi32, #tpu.memory_space<vmem>> -> memref<1x80x64xi32, #tpu.memory_space<vmem>>
          %gather3A_306 = tpu.memref_squeeze %gather3A_305 : memref<1x80x64xi32, #tpu.memory_space<vmem>> -> memref<80x64xi32, #tpu.memory_space<vmem>>
          %gather3A_307 = tpu.vector_load_idx %gather3A_306[%add3A_109, %xor3A_297] : memref<80x64xi32, #tpu.memory_space<vmem>>[vector<16xi32>, vector<16xi32>], vector<16xi32>,
          %bitcast3A_308 = vector.bitcast %gather3A_302 : vector<16xi32> to vector<32xbf16>
          %bitcast3A_309 = vector.bitcast %gather3A_307 : vector<16xi32> to vector<32xbf16>
          %mul3A_310 = arith.mulf %bitcast3A_308, %bitcast3A_309 : vector<32xbf16>
          %unpack3A_311 = tpu.unpack_subelements %mul3A_310, 0 {pack_format = #tpu.pack_format<interleaved>} : vector<32xbf16> -> vector<16xf32>
          %unpack3A_312 = tpu.unpack_subelements %mul3A_310, 1 {pack_format = #tpu.pack_format<interleaved>} : vector<32xbf16> -> vector<16xf32>
          %add3A_313 = arith.addf %add3A_267, %unpack3A_311 : vector<16xf32>
          %add3A_314 = arith.addf %add3A_268, %unpack3A_312 : vector<16xf32>
          scf.yield %add3A_290, %add3A_291, %add3A_313, %add3A_314 : vector<16xf32>, vector<16xf32>, vector<16xf32>, vector<16xf32>
        }
        %scan3A_117 = arith.constant 8 : i32
        %add3A_118 = arith.addf %scan3A_116#0, %scan3A_116#1 : vector<16xf32>
        %add3A_119 = arith.addf %scan3A_116#2, %scan3A_116#3 : vector<16xf32>
        %add3A_120 = arith.addf %add3A_118, %add3A_119 : vector<16xf32>
        %abs3A = math.absf %add3A_120 : vector<16xf32>
        %mul3A_121 = arith.constant -0.00999999977 : f32
        %mul3A_122 = vector.broadcast %mul3A_121 : f32 to vector<16xf32>
        %mul3A_123 = arith.mulf %abs3A, %mul3A_122 : vector<16xf32>
        %exp3A = math.exp %mul3A_123 : vector<16xf32>
        %exp3A_124 = math.exp %exp3A : vector<16xf32>
        %mul3A_125 = arith.constant 16 : i32
        %mul3A_126 = arith.muli %scan3A_104, %mul3A_125 : i32
        %swap3A = arith.index_cast %scan3A_68 : i32 to index
        %swap3A_127 = arith.index_cast %mul3A_126 : i32 to index
        %swap3A_128 = tpu.vector_load %arg10[%swap3A, %swap3A_127] {strides = array<i32>} : memref<125x80xf32, #tpu.memory_space<vmem>>, vector<16xf32>,
        tpu.vector_store %arg10[%swap3A, %swap3A_127], %exp3A_124 {strides = array<i32>} : memref<125x80xf32, #tpu.memory_space<vmem>>, vector<16xf32>,
        %scan3A_129 = arith.constant 0 : i32
        scf.yield %scan3A_129 : i32
      }
      %scan3A_102 = arith.constant 5 : i32
      %scan3A_103 = arith.constant 0 : i32
      scf.yield %scan3A_103 : i32
    }
    %scan3A_31 = arith.constant 125 : i32
    %scan3A_32 = arith.constant 0 : i32
    %scan3A_33 = arith.constant 0 : i32
    %scan3A_34 = arith.constant 125 : i32
    %scan3A_35 = arith.addi %scan3A_33, %scan3A_34 : i32
    %scan3A_36 = arith.constant 1 : i32
    %scan3A_37 = scf.for %scan3A_68 = %scan3A_33 to %scan3A_35 step %scan3A_36 iter_args(%scan3A_69 = %scan3A_32) -> (i32)  : i32 {
      %dma_start3A_70 = arith.constant 0 : i32
      %dma_start3A_71 = tpu.memref_slice %arg10[%scan3A_68, %dma_start3A_70] : memref<125x80xf32, #tpu.memory_space<vmem>> -> memref<1x80xf32, #tpu.memory_space<vmem>>
      %dma_start3A_72 = tpu.memref_squeeze %dma_start3A_71 : memref<1x80xf32, #tpu.memory_space<vmem>> -> memref<80xf32, #tpu.memory_space<vmem>>
      %dma_start3A_73 = arith.constant 0 : i32
      %dma_start3A_74 = tpu.memref_slice %arg9[%scan3A_68, %dma_start3A_73] : memref<125x80xi32, #tpu.memory_space<vmem>> -> memref<1x80xi32, #tpu.memory_space<vmem>>
      %dma_start3A_75 = tpu.memref_squeeze %dma_start3A_74 : memref<1x80xi32, #tpu.memory_space<vmem>> -> memref<80xi32, #tpu.memory_space<vmem>>
      %dma_start3A_76 = arith.constant 0 : i32
      %dma_start3A_77 = tpu.memref_slice %arg20[%dma_start3A_76] : memref<10000xf32, #tpu.memory_space<vmem_shared>> -> memref<10000xf32, #tpu.memory_space<vmem_shared>>
      tpu.enqueue_indirect_dma source(%dma_start3A_72 : memref<80xf32, #tpu.memory_space<vmem>>) target(%dma_start3A_77 : memref<10000xf32, #tpu.memory_space<vmem_shared>>) offsets(%dma_start3A_75 : memref<80xi32, #tpu.memory_space<vmem>>) semaphore(%arg18 : memref<!tpu.dma_semaphore, #tpu.memory_space<semaphore_mem>>) {add = true}
      %scan3A_78 = arith.constant 0 : i32
      scf.yield %scan3A_78 : i32
    }
    %scan3A_38 = arith.constant 125 : i32
    %scan3A_39 = arith.constant 0 : i32
    %scan3A_40 = arith.constant 0 : i32
    %scan3A_41 = arith.constant 125 : i32
    %scan3A_42 = arith.addi %scan3A_40, %scan3A_41 : i32
    %scan3A_43 = arith.constant 1 : i32
    %scan3A_44 = scf.for %scan3A_68 = %scan3A_40 to %scan3A_42 step %scan3A_43 iter_args(%scan3A_69 = %scan3A_39) -> (i32)  : i32 {
      %dma_wait3A = arith.constant 0 : i32
      %dma_wait3A_70 = tpu.memref_slice %arg10[%scan3A_68, %dma_wait3A] : memref<125x80xf32, #tpu.memory_space<vmem>> -> memref<1x80xf32, #tpu.memory_space<vmem>>
      %dma_wait3A_71 = tpu.memref_squeeze %dma_wait3A_70 : memref<1x80xf32, #tpu.memory_space<vmem>> -> memref<80xf32, #tpu.memory_space<vmem>>
      %dma_wait3A_72 = arith.constant 0 : i32
      %dma_wait3A_73 = tpu.memref_slice %arg9[%scan3A_68, %dma_wait3A_72] : memref<125x80xi32, #tpu.memory_space<vmem>> -> memref<1x80xi32, #tpu.memory_space<vmem>>
      %dma_wait3A_74 = tpu.memref_squeeze %dma_wait3A_73 : memref<1x80xi32, #tpu.memory_space<vmem>> -> memref<80xi32, #tpu.memory_space<vmem>>
      %dma_wait3A_75 = arith.constant 0 : i32
      %dma_wait3A_76 = tpu.memref_slice %arg20[%dma_wait3A_75] : memref<10000xf32, #tpu.memory_space<vmem_shared>> -> memref<10000xf32, #tpu.memory_space<vmem_shared>>
      tpu.wait_indirect_dma semaphore(%arg18 : memref<!tpu.dma_semaphore, #tpu.memory_space<semaphore_mem>>) src(%dma_wait3A_71 : memref<80xf32, #tpu.memory_space<vmem>>) dst(%dma_wait3A_76 : memref<10000xf32, #tpu.memory_space<vmem_shared>>)
      %scan3A_77 = arith.constant 0 : i32
      scf.yield %scan3A_77 : i32
    }
    %scan3A_45 = arith.constant 125 : i32
    %barrier3A_46 = arith.constant 0 : index
    tpu.barrier barrier_id(%barrier3A_46)
    %eq3A_47 = arith.constant 0 : i32
    %eq3A_48 = arith.cmpi eq, %arg1, %eq3A_47 : i32
    %convert_element_type3A_49 = arith.extui %eq3A_48 : i1 to i32
    %cond3A_50 = arith.constant 0 : i32
    %cond3A_51 = arith.cmpi ne, %convert_element_type3A_49, %cond3A_50 : i32
    scf.if %cond3A_51 {
      "tpu.region"() ({
        %run_scoped3A_70 = tpu.sem_alloc : memref<!tpu.dma_semaphore, #tpu.memory_space<semaphore_mem>>
        %dma_start3A_71 = arith.constant 0 : i32
        %dma_start3A_72 = tpu.memref_slice %arg6[%arg0, %dma_start3A_71] : memref<2x10000xf32, #tpu.memory_space<hbm>> -> memref<1x10000xf32, #tpu.memory_space<hbm>>
        %dma_start3A_73 = tpu.memref_squeeze %dma_start3A_72 : memref<1x10000xf32, #tpu.memory_space<hbm>> -> memref<10000xf32, #tpu.memory_space<hbm>>
        tpu.enqueue_dma source(%arg20 : memref<10000xf32, #tpu.memory_space<vmem_shared>>) target(%dma_start3A_73 : memref<10000xf32, #tpu.memory_space<hbm>>) target_semaphore(%run_scoped3A_70 : memref<!tpu.dma_semaphore, #tpu.memory_space<semaphore_mem>>)
        %dma_wait3A = arith.constant 0 : i32
        %dma_wait3A_74 = tpu.memref_slice %arg6[%arg0, %dma_wait3A] : memref<2x10000xf32, #tpu.memory_space<hbm>> -> memref<1x10000xf32, #tpu.memory_space<hbm>>
        %dma_wait3A_75 = tpu.memref_squeeze %dma_wait3A_74 : memref<1x10000xf32, #tpu.memory_space<hbm>> -> memref<10000xf32, #tpu.memory_space<hbm>>
        tpu.wait_dma2 semaphore(%run_scoped3A_70 : memref<!tpu.dma_semaphore, #tpu.memory_space<semaphore_mem>>) src(%arg20 : memref<10000xf32, #tpu.memory_space<vmem_shared>>) dst(%dma_wait3A_75 : memref<10000xf32, #tpu.memory_space<hbm>>)
        tpu.yield
      }) : () -> ()
      %sub3A = arith.constant 1 : i32
      %sub3A_68 = arith.subi %sub3A, %arg0 : i32
      %semaphore_signal3A = arith.constant 1 : i32
      tpu.sem_signal %arg19, %semaphore_signal3A core_id %sub3A_68 : memref<!tpu.semaphore, #tpu.memory_space<semaphore_mem>>
      %semaphore_wait3A = arith.constant 1 : i32
      %semaphore_wait3A_69 = arith.constant true
      tpu.sem_wait %arg19, %semaphore_wait3A : memref<!tpu.semaphore, #tpu.memory_space<semaphore_mem>>
    } else {
    }
    %barrier3A_52 = arith.constant 0 : index
    tpu.barrier barrier_id(%barrier3A_52)
    %run_scoped3A = arith.constant 0 : i32
    "tpu.region"() ({
      %run_scoped3A_68 = tpu.sem_alloc : memref<!tpu.dma_semaphore, #tpu.memory_space<semaphore_mem>>
      %dma_start3A_69 = arith.constant 0 : i32
      %dma_start3A_70 = tpu.memref_slice %arg6[%run_scoped3A, %dma_start3A_69] : memref<2x10000xf32, #tpu.memory_space<hbm>> -> memref<1x10000xf32, #tpu.memory_space<hbm>>
      %dma_start3A_71 = tpu.memref_squeeze %dma_start3A_70 : memref<1x10000xf32, #tpu.memory_space<hbm>> -> memref<10000xf32, #tpu.memory_space<hbm>>
      %dma_start3A_72 = arith.constant 0 : i32
      %dma_start3A_73 = tpu.memref_slice %arg6[%run_scoped3A, %dma_start3A_72] : memref<2x10000xf32, #tpu.memory_space<hbm>> -> memref<1x10000xf32, #tpu.memory_space<hbm>>
      %dma_start3A_74 = tpu.memref_squeeze %dma_start3A_73 : memref<1x10000xf32, #tpu.memory_space<hbm>> -> memref<10000xf32, #tpu.memory_space<hbm>>
      tpu.enqueue_dma source(%dma_start3A_74 : memref<10000xf32, #tpu.memory_space<hbm>>) target(%arg14 : memref<10000xf32, #tpu.memory_space<vmem>>) target_semaphore(%run_scoped3A_68 : memref<!tpu.dma_semaphore, #tpu.memory_space<semaphore_mem>>)
      %dma_wait3A = arith.constant 0 : i32
      %dma_wait3A_75 = tpu.memref_slice %arg6[%run_scoped3A, %dma_wait3A] : memref<2x10000xf32, #tpu.memory_space<hbm>> -> memref<1x10000xf32, #tpu.memory_space<hbm>>
      %dma_wait3A_76 = tpu.memref_squeeze %dma_wait3A_75 : memref<1x10000xf32, #tpu.memory_space<hbm>> -> memref<10000xf32, #tpu.memory_space<hbm>>
      %dma_wait3A_77 = arith.constant 0 : i32
      %dma_wait3A_78 = tpu.memref_slice %arg6[%run_scoped3A, %dma_wait3A_77] : memref<2x10000xf32, #tpu.memory_space<hbm>> -> memref<1x10000xf32, #tpu.memory_space<hbm>>
      %dma_wait3A_79 = tpu.memref_squeeze %dma_wait3A_78 : memref<1x10000xf32, #tpu.memory_space<hbm>> -> memref<10000xf32, #tpu.memory_space<hbm>>
      tpu.wait_dma2 semaphore(%run_scoped3A_68 : memref<!tpu.dma_semaphore, #tpu.memory_space<semaphore_mem>>) src(%dma_wait3A_79 : memref<10000xf32, #tpu.memory_space<hbm>>) dst(%arg14 : memref<10000xf32, #tpu.memory_space<vmem>>)
      tpu.yield
    }) : () -> ()
    %run_scoped3A_53 = arith.constant 1 : i32
    "tpu.region"() ({
      %run_scoped3A_68 = tpu.sem_alloc : memref<!tpu.dma_semaphore, #tpu.memory_space<semaphore_mem>>
      %dma_start3A_69 = arith.constant 0 : i32
      %dma_start3A_70 = tpu.memref_slice %arg6[%run_scoped3A_53, %dma_start3A_69] : memref<2x10000xf32, #tpu.memory_space<hbm>> -> memref<1x10000xf32, #tpu.memory_space<hbm>>
      %dma_start3A_71 = tpu.memref_squeeze %dma_start3A_70 : memref<1x10000xf32, #tpu.memory_space<hbm>> -> memref<10000xf32, #tpu.memory_space<hbm>>
      %dma_start3A_72 = arith.constant 0 : i32
      %dma_start3A_73 = tpu.memref_slice %arg6[%run_scoped3A_53, %dma_start3A_72] : memref<2x10000xf32, #tpu.memory_space<hbm>> -> memref<1x10000xf32, #tpu.memory_space<hbm>>
      %dma_start3A_74 = tpu.memref_squeeze %dma_start3A_73 : memref<1x10000xf32, #tpu.memory_space<hbm>> -> memref<10000xf32, #tpu.memory_space<hbm>>
      tpu.enqueue_dma source(%dma_start3A_74 : memref<10000xf32, #tpu.memory_space<hbm>>) target(%arg15 : memref<10000xf32, #tpu.memory_space<vmem>>) target_semaphore(%run_scoped3A_68 : memref<!tpu.dma_semaphore, #tpu.memory_space<semaphore_mem>>)
      %dma_wait3A = arith.constant 0 : i32
      %dma_wait3A_75 = tpu.memref_slice %arg6[%run_scoped3A_53, %dma_wait3A] : memref<2x10000xf32, #tpu.memory_space<hbm>> -> memref<1x10000xf32, #tpu.memory_space<hbm>>
      %dma_wait3A_76 = tpu.memref_squeeze %dma_wait3A_75 : memref<1x10000xf32, #tpu.memory_space<hbm>> -> memref<10000xf32, #tpu.memory_space<hbm>>
      %dma_wait3A_77 = arith.constant 0 : i32
      %dma_wait3A_78 = tpu.memref_slice %arg6[%run_scoped3A_53, %dma_wait3A_77] : memref<2x10000xf32, #tpu.memory_space<hbm>> -> memref<1x10000xf32, #tpu.memory_space<hbm>>
      %dma_wait3A_79 = tpu.memref_squeeze %dma_wait3A_78 : memref<1x10000xf32, #tpu.memory_space<hbm>> -> memref<10000xf32, #tpu.memory_space<hbm>>
      tpu.wait_dma2 semaphore(%run_scoped3A_68 : memref<!tpu.dma_semaphore, #tpu.memory_space<semaphore_mem>>) src(%dma_wait3A_79 : memref<10000xf32, #tpu.memory_space<hbm>>) dst(%arg15 : memref<10000xf32, #tpu.memory_space<vmem>>)
      tpu.yield
    }) : () -> ()
    %scan3A_54 = arith.constant 0 : i32
    %scan3A_55 = arith.constant 0 : i32
    %scan3A_56 = arith.constant 625 : i32
    %scan3A_57 = arith.addi %scan3A_55, %scan3A_56 : i32
    %scan3A_58 = arith.constant 1 : i32
    %scan3A_59 = scf.for %scan3A_68 = %scan3A_55 to %scan3A_57 step %scan3A_58 iter_args(%scan3A_69 = %scan3A_54) -> (i32)  : i32 {
      %mul3A_70 = arith.constant 16 : i32
      %mul3A_71 = arith.muli %scan3A_68, %mul3A_70 : i32
      %get3A = arith.index_cast %mul3A_71 : i32 to index
      %get3A_72 = tpu.vector_load %arg14[%get3A] {strides = array<i32>} : memref<10000xf32, #tpu.memory_space<vmem>>, vector<16xf32>,
      %get3A_73 = arith.index_cast %mul3A_71 : i32 to index
      %get3A_74 = tpu.vector_load %arg15[%get3A_73] {strides = array<i32>} : memref<10000xf32, #tpu.memory_space<vmem>>, vector<16xf32>,
      %add3A_75 = arith.addf %get3A_72, %get3A_74 : vector<16xf32>
      %swap3A = arith.index_cast %mul3A_71 : i32 to index
      %swap3A_76 = tpu.vector_load %arg14[%swap3A] {strides = array<i32>} : memref<10000xf32, #tpu.memory_space<vmem>>, vector<16xf32>,
      tpu.vector_store %arg14[%swap3A], %add3A_75 {strides = array<i32>} : memref<10000xf32, #tpu.memory_space<vmem>>, vector<16xf32>,
      %scan3A_77 = arith.constant 0 : i32
      scf.yield %scan3A_77 : i32
    }
    %scan3A_60 = arith.constant 625 : i32
    %scan3A_61 = arith.constant 0 : i32
    %scan3A_62 = arith.constant 0 : i32
    %scan3A_63 = arith.constant 125 : i32
    %scan3A_64 = arith.addi %scan3A_62, %scan3A_63 : i32
    %scan3A_65 = arith.constant 1 : i32
    %scan3A_66 = scf.for %scan3A_68 = %scan3A_62 to %scan3A_64 step %scan3A_65 iter_args(%scan3A_69 = %scan3A_61) -> (i32)  : i32 {
      %scan3A_70 = arith.constant 0 : i32
      %scan3A_71 = arith.constant 0 : i32
      %scan3A_72 = arith.constant 5 : i32
      %scan3A_73 = arith.addi %scan3A_71, %scan3A_72 : i32
      %scan3A_74 = arith.constant 1 : i32
      %scan3A_75 = scf.for %scan3A_78 = %scan3A_71 to %scan3A_73 step %scan3A_74 iter_args(%scan3A_79 = %scan3A_70) -> (i32)  : i32 {
        %mul3A_80 = arith.constant 16 : i32
        %mul3A_81 = arith.muli %scan3A_78, %mul3A_80 : i32
        %get3A = arith.index_cast %scan3A_68 : i32 to index
        %get3A_82 = arith.index_cast %mul3A_81 : i32 to index
        %get3A_83 = tpu.vector_load %arg9[%get3A, %get3A_82] {strides = array<i32>} : memref<125x80xi32, #tpu.memory_space<vmem>>, vector<16xi32>,
        %gather3A = tpu.vector_load_idx %arg14[%get3A_83] : memref<10000xf32, #tpu.memory_space<vmem>>[vector<16xi32>], vector<16xf32>,
        %get3A_84 = arith.index_cast %scan3A_68 : i32 to index
        %get3A_85 = arith.index_cast %mul3A_81 : i32 to index
        %get3A_86 = tpu.vector_load %arg10[%get3A_84, %get3A_85] {strides = array<i32>} : memref<125x80xf32, #tpu.memory_space<vmem>>, vector<16xf32>,
        %div3A = arith.divf %get3A_86, %gather3A : vector<16xf32>
        %swap3A = arith.index_cast %scan3A_68 : i32 to index
        %swap3A_87 = arith.index_cast %mul3A_81 : i32 to index
        %swap3A_88 = tpu.vector_load %arg13[%swap3A, %swap3A_87] {strides = array<i32>} : memref<125x80xf32, #tpu.memory_space<vmem>>, vector<16xf32>,
        tpu.vector_store %arg13[%swap3A, %swap3A_87], %div3A {strides = array<i32>} : memref<125x80xf32, #tpu.memory_space<vmem>>, vector<16xf32>,
        %scan3A_89 = arith.constant 0 : i32
        scf.yield %scan3A_89 : i32
      }
      %scan3A_76 = arith.constant 5 : i32
      %scan3A_77 = arith.constant 0 : i32
      scf.yield %scan3A_77 : i32
    }
    %scan3A_67 = arith.constant 125 : i32
    "tpu.region"() ({
      %run_scoped3A_68 = tpu.sem_alloc : memref<!tpu.dma_semaphore, #tpu.memory_space<semaphore_mem>>
      %dma_start3A_69 = arith.constant 0 : i32
      %dma_start3A_70 = arith.constant 0 : i32
      %dma_start3A_71 = tpu.memref_slice %arg7[%add3A, %dma_start3A_69, %dma_start3A_70] : memref<32x125x80xf32, #tpu.memory_space<hbm>> -> memref<1x125x80xf32, #tpu.memory_space<hbm>>
      %dma_start3A_72 = tpu.memref_squeeze %dma_start3A_71 : memref<1x125x80xf32, #tpu.memory_space<hbm>> -> memref<125x80xf32, #tpu.memory_space<hbm>>
      %dma_start3A_73 = arith.constant 0 : i32
      %dma_start3A_74 = arith.constant 0 : i32
      %dma_start3A_75 = tpu.memref_slice %arg7[%add3A, %dma_start3A_73, %dma_start3A_74] : memref<32x125x80xf32, #tpu.memory_space<hbm>> -> memref<1x125x80xf32, #tpu.memory_space<hbm>>
      %dma_start3A_76 = tpu.memref_squeeze %dma_start3A_75 : memref<1x125x80xf32, #tpu.memory_space<hbm>> -> memref<125x80xf32, #tpu.memory_space<hbm>>
      tpu.enqueue_dma source(%arg13 : memref<125x80xf32, #tpu.memory_space<vmem>>) target(%dma_start3A_76 : memref<125x80xf32, #tpu.memory_space<hbm>>) target_semaphore(%run_scoped3A_68 : memref<!tpu.dma_semaphore, #tpu.memory_space<semaphore_mem>>)
      %dma_wait3A = arith.constant 0 : i32
      %dma_wait3A_77 = arith.constant 0 : i32
      %dma_wait3A_78 = tpu.memref_slice %arg7[%add3A, %dma_wait3A, %dma_wait3A_77] : memref<32x125x80xf32, #tpu.memory_space<hbm>> -> memref<1x125x80xf32, #tpu.memory_space<hbm>>
      %dma_wait3A_79 = tpu.memref_squeeze %dma_wait3A_78 : memref<1x125x80xf32, #tpu.memory_space<hbm>> -> memref<125x80xf32, #tpu.memory_space<hbm>>
      %dma_wait3A_80 = arith.constant 0 : i32
      %dma_wait3A_81 = arith.constant 0 : i32
      %dma_wait3A_82 = tpu.memref_slice %arg7[%add3A, %dma_wait3A_80, %dma_wait3A_81] : memref<32x125x80xf32, #tpu.memory_space<hbm>> -> memref<1x125x80xf32, #tpu.memory_space<hbm>>
      %dma_wait3A_83 = tpu.memref_squeeze %dma_wait3A_82 : memref<1x125x80xf32, #tpu.memory_space<hbm>> -> memref<125x80xf32, #tpu.memory_space<hbm>>
      tpu.wait_dma2 semaphore(%run_scoped3A_68 : memref<!tpu.dma_semaphore, #tpu.memory_space<semaphore_mem>>) src(%arg13 : memref<125x80xf32, #tpu.memory_space<vmem>>) dst(%dma_wait3A_83 : memref<125x80xf32, #tpu.memory_space<hbm>>)
      tpu.yield
    }) : () -> ()
    return
  }
}

</mosaic_0001>

<sc_bundles>
// kernel: kernel.3.cloned.1.call-start
scs
__scs_entry_jumppad:
0x0: {  	(pc) =	sbr.rel $0x88, $3  }
0x1: {  	(tag) =	ssettag $0x0;
	lr =	simm.s32 $0x1  }
0x2: {  	[smem:$0x3F9F] =	sst lr;
	_ =	strace $0xD0000000  }
0x3: {  	_ = 	snop  }
0x4: {  	_ = 	snop  }
0x5: {  	_ = 	snop  }
0x6: {  	_ = 	snop  }
0x7: {  	_ = 	snop  }
__scs_overlays_trampoline_lowered:
0x8: {  	[smem:$0x3FAE] =	sst s0  }
0x9: {  	[smem:$0x3FAF] =	sst s1  }
0xa: {  	[smem:$0x3FB0] =	sst s2  }
0xb: {  	[smem:$0x3FB1] =	sst s3  }
0xc: {  	[smem:$0x3FB2] =	sst s4  }
0xd: {  	[smem:$0x3FB3] =	sst s5  }
0xe: {  	[smem:$0x3FB4] =	sst s6  }
0xf: {  	[smem:$0x3FB5] =	sst s7  }
0x10: {  	[smem:$0x3FB6] =	sst s8  }
0x11: {  	[smem:$0x3FB7] =	sst s9;
	s0 =	simm.s32 @!p0 $0x0  }
0x12: {  	s1 =	sld [smem:$0x3F9D];
	s0 =	simm.s32 @p0 $0x1  }
0x13: {  	[smem:$0x3FB8] =	sst s0;
	s0 =	simm.s32 @!p1 $0x0  }
0x14: {  	s2 =	sld [smem:$0x3F9C];
	s0 =	simm.s32 @p1 $0x1  }
0x15: {  	[smem:$0x3FB9] =	sst s0;
	s0 =	simm.s32 @!p2 $0x0  }
0x16: {  	s3 =	sld [smem:$0x3FDB];
	s0 =	simm.s32 @p2 $0x1  }
0x17: {  	s4 =	simm.s32 $0x1BF5;
	[smem:$0x3FBB] =	sst s0  }
0x18: {  	s0 =	sld [smem:$0x3F9E];
	_ =	swait.ge [sflag:s4], $0x0  }
0x19: {  	s7 =	sld [smem:$0x3F9F]  }
0x1a: {  	s8 =	sadd.s32 $0xFFFFE003, lr  }
0x1b: {  	s9 =	sadd.s32 $0xFFFFFEF7, lr;
	s5 =	simm.s32 $0xFFFFFFFF;
	p2 =	slt.u32 s8, $0xFFFFF086  }
0x1c: {  	p1 =	slt.u32 s9, $0xF7A;
	s5 =	simm.s32 @!p2 $0x0  }
0x1d: {  	s5 =	simm.s32 @p1 $0x1;
	p0 =	seq.s32 s7, s2  }
0x1e: {  	s7 =	smul.u32 @!p0 $0xF7A, s2;
	p2 =	seq.s32 @!p0 s5, $0x0  }
0x1f: {  	s9 =	smul.u32 $0xF7A, s1;
	s8 =	simm.s32 @!p0 $0x1BF5;
	p2 =	por !p2, p0  }
0x20: {  	[sflag:s8] =	ssyncset.s32 @!p0 $0xFFFFF086;
	s6 =	sadd.s32 @!p0 s3, s7;
	s7 =	simm.s32 @!p0 $0x108  }
0x21: {  	s3 =	sadd.s32 s3, s9;
	s6 =	sadd.s32 @!p0 $0x88, s6;
	s7 =	simm.s32 @p2 $0x1082  }
0x22: {  	[simem:s7], [sflag:s8] =	dma.local @!p0 [hbm:s6], $0xF7A  }
0x23: {  	s9 =	sor.u32 $0xD0000000, s2;
	s6 =	simm.s32 $0x108;
	_ =	swait.ge @!p0 [sflag:s8], $0x0  }
0x24: {  	s3 =	sadd.s32 $0x88, s3;
	s6 =	simm.s32 @!p1 $0x1082;
	[sflag:s4] =	ssyncset.s32 $0xFFFFF086  }
0x25: {  	[simem:s6], [sflag:s4] =	dma.local [hbm:s3], $0xF7A  }
0x26: {  	[smem:$0x3F9F] =	sst s1;
	(tag) =	ssettag s2;
	_ =	strace s9  }
0x27: {  	s1 =	sld [smem:$0x3FAF]  }
0x28: {  	s2 =	sld [smem:$0x3FB0]  }
0x29: {  	s4 =	sld [smem:$0x3FB2]  }
0x2a: {  	p0 =	seq.s32 s5, $0x0;
	s5 =	sld [smem:$0x3FB3]  }
0x2b: {  	s6 =	sld [smem:$0x3FB4]  }
0x2c: {  	s7 =	sld [smem:$0x3FB5]  }
0x2d: {  	s3 =	simm.s32 $0x108;
	s8 =	sld [smem:$0x3FB6]  }
0x2e: {  	s3 =	simm.s32 @!p0 $0x1082;
	s9 =	sld [smem:$0x3FB7]  }
0x2f: {  	lr =	sadd.s32 s0, s3;
	s0 =	sld [smem:$0x3FAE]  }
0x30: {  	s3 =	sld [smem:$0x3FB1]  }
0x31: {  	[smem:$0x3FBA] =	sst s10  }
0x32: {  	s10 =	sld [smem:$0x3FB8];
	_ =	sdelay $0x3  }
0x33: {  	p0 =	seq.s32 s10, $0x1;
	s10 =	sld [smem:$0x3FBA];
	_ =	sdelay $0x3  }
0x34: {  	[smem:$0x3FBA] =	sst s10  }
0x35: {  	s10 =	sld [smem:$0x3FB9];
	_ =	sdelay $0x3  }
0x36: {  	p1 =	seq.s32 s10, $0x1;
	s10 =	sld [smem:$0x3FBA];
	_ =	sdelay $0x3  }
0x37: {  	[smem:$0x3FBA] =	sst s10  }
0x38: {  	s10 =	sld [smem:$0x3FBB]  }
0x39: {  	_ = 	snop;
	(pc) =	sbr.ind lr, $3  }
0x3a: {  	_ = 	snop  }
0x3b: {  	_ = 	snop  }
0x3c: {  	p2 =	seq.s32 s10, $0x1;
	s10 =	sld [smem:$0x3FBA]  }
0x3d: {  	_ =	shalt  }
0x3e: {  	_ =	shalt  }
0x3f: {  	_ =	shalt  }
0x40: {  	_ =	shalt  }
0x41: {  	_ =	shalt  }
0x42: {  	_ =	shalt  }
0x43: {  	_ =	shalt  }
0x44: {  	_ =	shalt  }
0x45: {  	_ =	shalt  }
0x46: {  	_ =	shalt  }
0x47: {  	_ =	shalt  }
0x48: {  	_ =	shalt  }
0x49: {  	_ =	shalt  }
0x4a: {  	_ =	shalt  }
0x4b: {  	_ =	shalt  }
0x4c: {  	_ =	shalt  }
0x4d: {  	_ =	shalt  }
0x4e: {  	_ =	shalt  }
0x4f: {  	_ =	shalt  }
0x50: {  	_ =	shalt  }
0x51: {  	_ =	shalt  }
0x52: {  	_ =	shalt  }
0x53: {  	_ =	shalt  }
0x54: {  	_ =	shalt  }
0x55: {  	_ =	shalt  }
0x56: {  	_ =	shalt  }
0x57: {  	_ =	shalt  }
0x58: {  	_ =	shalt  }
0x59: {  	_ =	shalt  }
0x5a: {  	_ =	shalt  }
0x5b: {  	_ =	shalt  }
0x5c: {  	_ =	shalt  }
0x5d: {  	_ =	shalt  }
0x5e: {  	_ =	shalt  }
0x5f: {  	_ =	shalt  }
0x60: {  	_ =	shalt  }
0x61: {  	_ =	shalt  }
0x62: {  	_ =	shalt  }
0x63: {  	_ =	shalt  }
0x64: {  	_ =	shalt  }
0x65: {  	_ =	shalt  }
0x66: {  	_ =	shalt  }
0x67: {  	_ =	shalt  }
0x68: {  	_ =	shalt  }
0x69: {  	_ =	shalt  }
0x6a: {  	_ =	shalt  }
0x6b: {  	_ =	shalt  }
0x6c: {  	_ =	shalt  }
0x6d: {  	_ =	shalt  }
0x6e: {  	_ =	shalt  }
0x6f: {  	_ =	shalt  }
0x70: {  	_ =	shalt  }
0x71: {  	_ =	shalt  }
0x72: {  	_ =	shalt  }
0x73: {  	_ =	shalt  }
0x74: {  	_ =	shalt  }
0x75: {  	_ =	shalt  }
0x76: {  	_ =	shalt  }
0x77: {  	_ =	shalt  }
0x78: {  	_ =	shalt  }
0x79: {  	_ =	shalt  }
0x7a: {  	_ =	shalt  }
0x7b: {  	_ =	shalt  }
0x7c: {  	_ =	shalt  }
0x7d: {  	_ =	shalt  }
0x7e: {  	_ =	shalt  }
0x7f: {  	_ =	shalt  }
0x80: {  	_ =	shalt  }
0x81: {  	_ =	shalt  }
0x82: {  	_ =	shalt  }
0x83: {  	_ =	shalt  }
0x84: {  	_ =	shalt  }
0x85: {  	_ =	shalt  }
0x86: {  	_ =	shalt  }
0x87: {  	_ =	shalt  }
.Lfunc_end0:
.L_simem_size_0:
called_computation_lowered:
.L_overlay_start_0:
0x88: {  	s2 =	sld [smem:$0x3FD9]  }
0x89: {  	s3 =	sld [smem:$0x3FFE];
	_ =	sdelay $0x1  }
0x8a: {  	s1 =	srdreg.scid  }
0x8b: {  	s0 =	sand.u32 $0x1, s1  }
0x8c: {  	s17 =	sshll.u32 s0, $0xA;
	s2 =	sadd.s32 s3, s2  }
0x8d: {  	s2 =	sadd.s32 s2, s17  }
0x8e: {  	[smem:$0x3FC6] =	sst s2  }
0x8f: {  	_ = 	snop  }
0x90: {  	s2 =	sld [smem:$0x3FD0];
	(tm) =	ssettm $0x1  }
0x91: {  	s18 =	sld [smem:$0x3FFB];
	_ =	sdelay $0x3  }
0x92: {  	_ =	strace s18  }
0x93: {  	s3 =	sld [smem:$0x3FFC];
	_ =	sdelay $0x3  }
0x94: {  	_ =	strace s3  }
0x95: {  	s3 =	sld [smem:$0x3FFD];
	_ =	sdelay $0x3  }
0x96: {  	_ =	strace s3  }
0x97: {  	_ =	strace $0x8FFFFFFF  }
0x98: {  	s19 =	sld [smem:$0x3FDB];
	_ =	sdelay $0x1  }
0x99: {  	s4 =	simm.s32 $_scs_section_size  }
0x9a: {  	s5 =	simm.s32 $_size__tile_overlayer_lowered;
	s6 =	simm.s32 $_tile_overlayer_lowered  }
0x9b: {  	s22 =	simm.s32 $0x1BFF;
	s21 =	sshll.u32 s6, $0x1;
	s3 =	sadd.s32 s4, s19  }
0x9c: {  	s7 =	simm.s32 $0x0;
	s20 =	sshll.u32 s5, $0x1;
	s5 =	sadd.s32 s21, s3  }
0x9d: {  	[timem:s7], [sflag:s22] =	dma.local [hbm:s5], s20  }
0x9e: {  	_ =	swait.ge [sflag:s22], s20  }
0x9f: {  	s4 =	ssub.s32 $0x0, s20;
	[sflag:s22] =	ssyncset.done $0x0  }
0xa0: {  	[sflag:s22] =	ssyncadd.s32 s4;
	_ =	sdelay $0x1  }
0xa1: {  	s23 =	simm.s32 $0x1B8B  }
0xa2: {  	_ =	swait.ge [sflag:s23], $0x1  }
0xa3: {  	[sflag:s23] =	ssyncset.done $0x0  }
0xa4: {  	s25 =	simm.s32 $0x1B8E;
	s24 =	sld [smem:$0x3FFE];
	[sflag:s23] =	ssyncadd.s32 $0xFFFFFFFF  }
0xa5: {  	s26 =	simm.s32 $execute0_lowered;
	[smem:$0x3FD2] =	sst s25  }
0xa6: {  	s5 =	sshll.u32 s26, $0x1;
	_ =	strace $0x80000046;
	[dreg:$0x1] =	wrdreg $0xFFFFFFFF  }
0xa7: {  	s28 =	simm.s32 $_size_execute0_lowered;
	s3 =	sadd.s32 s3, s5;
	[dreg:$0x0] =	wrdreg $0x0  }
0xa8: {  	s5 =	sshll.u32 s28, $0x1;
	[dreg:$0x2] =	wrdreg s3  }
0xa9: {  	[dreg:$0x3] =	wrdreg s5  }
0xaa: {  	[dreg:$0x4] =	wrdreg $0xC0  }
0xab: {  	_ =	task [dreg:s7], $0x5FFFF  }
0xac: {  	[dreg:$0x1] =	wrdreg $0xFFFFFFFF  }
0xad: {  	[dreg:$0x0] =	wrdreg $0x60  }
0xae: {  	[dreg:$0x2] =	wrdreg s24  }
0xaf: {  	[dreg:$0x3] =	wrdreg s2  }
0xb0: {  	[dreg:$0x4] =	wrdreg $0x13A600  }
0xb1: {  	[dreg:$0x5] =	wrdreg $0x9  }
0xb2: {  	_ =	task.clear_ibuf [dreg:s7], $0x6FFFF;
	_ =	strace $0x90000046  }
0xb3: {  	s29 =	simm.s32 $0x9;
	_ =	strace $0x80000048  }
0xb4: {  	_ =	swait.ge [sflag:s29], $0x1  }
0xb5: {  	[sflag:s29] =	ssyncadd.s32 $0xFFFFFFFF  }
0xb6: {  	_ =	strace $0x90000048  }
0xb7: {  	_ =	sfence  }
0xb8: {  	s30 =	sld [smem:$0x0];
	_ =	sdelay $0x2  }
0xb9: {  	s31 =	sshll.u32 s1, $0xD;
	s1 =	sshrl.u32 s1, $0x2  }
0xba: {  	s3 =	sand.u32 $0x4000, s31;
	s1 =	sadd.s32 s1, s30  }
0xbb: {  	s0 =	sor.u32 s3, s0;
	s1 =	sshll.u32 s1, $0x11  }
0xbc: {  	s0 =	sor.u32 s1, s0  }
0xbd: {  	s0 =	sadd.s32 $0x8F2B, s0  }
0xbe: {  	[sflag:s0] =	ssyncadd.remote.s32 $0x1  }
0xbf: {  	_ =	sfence.sel $0xFFFF  }
0xc0: {  	[dreg:$0x0] =	wrdreg $0xFFFFFFFF;
	(pc) =	sbr.abs _section_cstart, $3  }
0xc1: {  	[dreg:$0x1] =	wrdreg $0xFFFFFFFF  }
0xc2: {  	_ =	task.clear_ibuf [dreg:s7], $0x2FFFF;
	_ =	strace $0x9FFFFFFF  }
0xc3: {  	(tm) =	ssettm $0x7FFFFFFF  }
tec
execute0_lowered:
.L_overlay_start_1:
0x0: {  	(tag) =	ssettag $0x1  }
0x1: {  	s0 =	rddreg [dreg:$0x0]  }
0x2: {  	s1 =	rddreg [dreg:$0x1];
	s2 =	srdreg.scid  }
0x3: {  	s12 =	stileid.u32;
	s3 =	rddreg [dreg:$0x2];
	s4 =	simm.s32 $0x0  }
0x4: {  	s14 =	simm.s32 $0x5;
	s15 =	simm.s32 $0x2710;
	s16 =	simm.s32 $0x50  }
0x5: {  	s19 =	simm.s32 $0x1;
	s20 =	simm.s32 $0x2;
	s21 =	simm.s32 $0x3  }
0x6: {  	s23 =	simm.s32 $0xEC40;
	s26 =	simm.s32 $0x0;
	s8 =	sand.u32 $0x1, s2  }
0x7: {  	s5 =	sshll.u32 s12, $0x1;
	[smem:$0x7FF] =	sst s4;
	s10 =	sand.u32 $0x2, s2  }
0x8: {  	p0 =	sne.s32 s12, $0x0;
	s5 =	sor.u32 s8, s5;
	_ =	strace $0x80000047  }
0x9: {  	s7 =	ssub.s32 $0x2, s8;
	s9 =	smul.u32 $0x4E2, s8;
	s10 =	ssub.s32 s10, s8  }
0xa: {  	s6 =	smul.u32 $0x4E2, s5;
	s5 =	sadd.s32 $0x27600, s0;
	s31 =	sshrl.u32 s7, $0x1  }
0xb: {  	s13 =	ssub.s32 s7, s31;
	s8 =	sadd.s32 s1, s9;
	s9 =	sshrl.u32 s2, $0x2  }
0xc: {  	v0 =	vlaneseq.u32;
	s2 =	sadd.s32 $0x5, s10;
	s10 =	sadd.s32 $0x4E2, s1;
	s11 =	sadd.s32 s6, s0  }
0xd: {  	v3 =	vshrl.u32 v0, $0x3;
	s12 =	smax.u32 s13, $0x1;
	s13 =	sshrl.u32 @!p0 s3, $0x3;
	s22 =	sshll.u32 @!p0 s2, $0xE  }
0xe: {  	v1 =	vmul.u32 $0x40, v0;
	v2 =	vand.u32 $0x7, v0;
	v3 =	vmul.u32 $0x8, v3;
	s6 =	sadd.s32 $0x1D800, s11;
	s7 =	sadd.s32 $0x13A00, s11;
	s11 =	sadd.s32 $0x27C00, s11  }
.LBB2_1:
0xf: {  	s2 =	simm.s32 @!p0 $0x1C05  }
0x10: {  	[spmem:s13], [sflag:s2] =	dma.local @!p0 [hbm:s5], $0x4E2  }
0x11: {  	s2 =	simm.s32 @!p0 $0x5  }
0x12: {  	_ =	swait.ge @!p0 [sflag:s2], $0x4E2  }
0x13: {  	[sflag:s2] =	ssyncset.done @!p0 $0x0  }
0x14: {  	[sflag:s2] =	ssyncadd.s32 @!p0 $0xFFFFFB1E  }
0x15: {  	[bflag:$0x0] =	sbarrier.arrive $0xFFFF  }
0x16: {  	[tilespmem:s4], [sflag:$0x5] =	stream.linear.gather [hbm4b:s6+s4], $0x2710, $0x38;
	[tilespmem:$0x13CD8] =	vst v63  }
0x17: {  	_ =	swait.ge [sflag:s14], $0x2710  }
0x18: {  	[sflag:s14] =	ssyncset.done $0x0  }
0x19: {  	[sflag:s14] =	ssyncadd.s32 $0xFFFFD8F0  }
0x1a: {  	[tilespmem:s15], [sflag:$0x5] =	stream.linear.gather [hbm4b:s7+s4], $0x2710, $0x38;
	[tilespmem:$0x13CD8] =	vst v63  }
0x1b: {  	_ =	swait.ge [sflag:s14], $0x2710  }
0x1c: {  	[sflag:s14] =	ssyncset.done $0x0  }
0x1d: {  	s1 =	simm.s32 $0x7530;
	[sflag:s14] =	ssyncadd.s32 $0xFFFFD8F0  }
0x1e: {  	[tilespmem:s1], [sflag:$0x1] =	stream.indirect.gather [hbm4b:s0+s16], $0x40, s4, s16, $0xb8;
	[tilespmem:$0x13CD8] =	vst v63  }
0x1f: {  	s31 =	simm.s32 $0x9D30;
	s28 =	simm.s32 $0x0  }
0x20: {  	[tilespmem:s31], [sflag:$0x2] =	stream.indirect.gather [hbm4b:s0+s16], $0x40, s15, s16, $0xb8;
	[tilespmem:$0x13CD8] =	vst v63  }
.LBB2_2:
0x21: {  	s2 =	smov.u32 s28;
	_ =	swait.ge [sflag:s19], $0x1400  }
0x22: {  	s17 =	sand.u32 $0x1, s28;
	p1 =	seq.s32 s28, $0x7C;
	s28 =	sadd.s32 $0x1, s28  }
0x23: {  	[sflag:s19] =	ssyncset.done $0x0;
	s30 =	smul.u32 @!p1 $0x50, s28  }
0x24: {  	s29 =	sxor.u32 @!p1 $0x1, s17;
	s2 =	smul.u32 $0x140, s2;
	[sflag:s19] =	ssyncadd.s32 $0xFFFFEC00  }
0x25: {  	s29 =	smul.u32 @!p1 $0x1400, s29;
	_ =	swait.ge [sflag:s20], $0x1400  }
0x26: {  	s18 =	simm.s32 @!p1 $0x50;
	s17 =	smul.u32 $0x1400, s17;
	[sflag:s20] =	ssyncset.done $0x0  }
0x27: {  	s2 =	sshra.s32 s2, $0x2;
	s31 =	sadd.s32 @!p1 $0x7530, s29;
	[sflag:s20] =	ssyncadd.s32 $0xFFFFEC00  }
0x28: {  	[tilespmem:s31], [sflag:$0x1] =	stream.indirect.gather @!p1 [hbm4b:s0+s18], $0x40, s30, s18, $0xb8;
	[tilespmem:$0x13CD8] =	vst v63  }
0x29: {  	s29 =	sadd.s32 @!p1 $0x9D30, s29;
	s2 =	sadd.s32 $0x4E20, s2;
	s30 =	sadd.s32 @!p1 $0x2710, s30  }
0x2a: {  	[tilespmem:s29], [sflag:$0x2] =	stream.indirect.gather @!p1 [hbm4b:s0+s18], $0x40, s30, s18, $0xb8;
	[tilespmem:$0x13CD8] =	vst v63  }
0x2b: {  	v4 =	vmov s2;
	s31 =	simm.s32 $0x0;
	s29 =	sadd.s32 $0x7530, s17;
	s30 =	sadd.s32 $0x9D30, s17  }
.LBB2_3:
0x2c: {  	s2 =	sshll.u32 s31, $0x4  }
0x2d: {  	v5 =	vmov s2  }
0x2e: {  	s17 =	simm.s32 $0x7;
	v5 =	vshll.u32 v5, $0x6  }
0x2f: {  	v6 =	vxor.u32 s17, v0;
	v5 =	vor.u32 v1, v5  }
0x30: {  	s25 =	simm.s32 $0x5;
	v6 =	vor.u32 v5, v6  }
0x31: {  	s18 =	simm.s32 $0x1;
	v7 =	vxor.u32 s25, v0  }
0x32: {  	v9 =	vxor.u32 s18, v0;
	v7 =	vor.u32 v5, v7  }
0x33: {  	v9 =	vor.u32 v5, v9  }
0x34: {  	s1 =	simm.s32 $0x3  }
0x35: {  	v8 =	vxor.u32 s1, v0;
	v10 =	vld.idx.msk [tilespmem:v6+s29+$0x0], $0xffff  }
0x36: {  	s18 =	simm.s32 $0x2;
	v8 =	vor.u32 v5, v8;
	v11 =	vld.idx.msk [tilespmem:v6+s30+$0x0], $0xffff  }
0x37: {  	v15 =	vxor.u32 s18, v0;
	v12 =	vld.idx.msk [tilespmem:v7+s29+$0x0], $0xffff  }
0x38: {  	s24 =	simm.s32 $0x6;
	v15 =	vor.u32 v5, v15;
	v18 =	vld.idx.msk [tilespmem:v9+s29+$0x0], $0xffff  }
0x39: {  	s25 =	simm.s32 $0x4;
	v6 =	vxor.u32 s24, v0;
	v9 =	vld.idx.msk [tilespmem:v9+s30+$0x0], $0xffff  }
0x3a: {  	s1 =	simm.s32 $0x0;
	v7 =	vld.idx.msk [tilespmem:v7+s30+$0x0], $0xffff;
	v13 =	vor.u32 v5, v6;
	v6 =	vxor.u32 s25, v0  }
0x3b: {  	v17 =	vxor.u32 s1, v3;
	v14 =	vld.idx.msk [tilespmem:v8+s29+$0x0], $0xffff;
	v16 =	vor.u32 v5, v6;
	v6 =	vor.u32 v2, v5  }
0x3c: {  	v8 =	vld.idx.msk [tilespmem:v8+s30+$0x0], $0xffff;
	v17 =	vor.u32 v17, v6  }
0x3d: {  	v25 =	vld.idx.msk [tilespmem:v15+s29+$0x0], $0xffff  }
0x3e: {  	s1 =	simm.s32 $0xB;
	s24 =	simm.s32 $0xD;
	v9 =	vmul.bf16 v9, v18;
	v18 =	vld.idx.msk [tilespmem:v15+s30+$0x0], $0xffff  }
0x3f: {  	v23 =	vimm.f32 $0.0e+00;
	v26 =	vxor.u32 s1, v0;
	v19 =	vxor.u32 s24, v0;
	v20 =	vld.idx.msk [tilespmem:v13+s29+$0x0], $0xffff  }
0x40: {  	s18 =	simm.s32 $0xF;
	v26 =	vor.u32 v5, v26;
	v27 =	vor.u32 v5, v19;
	v12 =	vmul.bf16 v7, v12;
	v21 =	vld.idx.msk [tilespmem:v13+s30+$0x0], $0xffff  }
0x41: {  	s25 =	simm.s32 $0x9;
	v7 =	vmul.bf16 v11, v10;
	v10 =	vmul.bf16 v8, v14;
	v13 =	vxor.u32 s18, v0;
	v28 =	vld.idx.msk [tilespmem:v17+s29+$0x0], $0xffff  }
0x42: {  	v22 =	vor.u32 v5, v13;
	v13 =	vxor.u32 s25, v0;
	v11 =	vunpack.i.u.bf16.f32 v12;
	v17 =	vld.idx.msk [tilespmem:v17+s30+$0x0], $0xffff  }
0x43: {  	s24 =	simm.s32 $0xA;
	s18 =	simm.s32 $0xE;
	v31 =	vunpack.i.u.bf16.f32 v9;
	v32 =	vunpack.i.u.bf16.f32 v10;
	v33 =	vunpack.i.l.bf16.f32 v10  }
0x44: {  	s17 =	simm.s32 $0xC;
	v24 =	vld.idx.msk [tilespmem:v16+s29+$0x0], $0xffff;
	v10 =	vxor.u32 s18, v0;
	v34 =	vunpack.i.l.bf16.f32 v9;
	v9 =	vxor.u32 s24, v0  }
0x45: {  	v30 =	vld.idx.msk [tilespmem:v16+s30+$0x0], $0xffff;
	s25 =	simm.s32 $0x8;
	v29 =	vor.u32 v5, v13;
	v13 =	vunpack.i.l.bf16.f32 v12;
	v12 =	vxor.u32 s17, v0  }
0x46: {  	v16 =	vld.idx.msk [tilespmem:v27+s29+$0x0], $0xffff;
	v14 =	vxor.u32 s25, v3;
	v19 =	vor.u32 v5, v10;
	v10 =	vor.u32 v5, v9  }
0x47: {  	v9 =	vor.u32 v5, v12;
	v25 =	vmul.bf16 v18, v25;
	v12 =	vld.idx.msk [tilespmem:v22+s29+$0x0], $0xffff;
	v17 =	vmul.bf16 v17, v28  }
0x48: {  	v8 =	vunpack.i.u.bf16.f32 v7;
	v15 =	vor.u32 v14, v6;
	v14 =	vld.idx.msk [tilespmem:v22+s30+$0x0], $0xffff;
	v22 =	vmul.bf16 v21, v20  }
0x49: {  	v18 =	vld.idx.msk [tilespmem:v27+s30+$0x0], $0xffff;
	v27 =	vunpack.i.u.bf16.f32 v25;
	v20 =	vunpack.i.u.bf16.f32 v17;
	v17 =	vunpack.i.l.bf16.f32 v17  }
0x4a: {  	v28 =	vmul.bf16 v30, v24;
	v21 =	vadd.f32 v17, v23;
	v24 =	vadd.f32 v20, v23  }
0x4b: {  	v25 =	vunpack.i.l.bf16.f32 v25;
	v30 =	vadd.f32 v34, v23;
	v17 =	vld.idx.msk [tilespmem:v26+s29+$0x0], $0xffff;
	v23 =	vadd.f32 v31, v23  }
0x4c: {  	v63 =	vunpack.i.u.bf16.f32 v28;
	v20 =	vld.idx.msk [tilespmem:v26+s30+$0x0], $0xffff;
	v26 =	vadd.f32 v25, v21;
	v31 =	vadd.f32 v27, v24  }
0x4d: {  	v21 =	vld.idx.msk [tilespmem:v29+s29+$0x0], $0xffff;
	v25 =	vadd.f32 v33, v30;
	v24 =	vadd.f32 v32, v23;
	v27 =	vunpack.i.l.bf16.f32 v28  }
0x4e: {  	s17 =	simm.s32 $0x17;
	v23 =	vld.idx.msk [tilespmem:v29+s30+$0x0], $0xffff;
	v28 =	vunpack.i.u.bf16.f32 v22;
	v27 =	vadd.f32 v27, v26;
	v26 =	vadd.f32 v63, v31  }
.LBB2_4:
0x4f: {  	p1 =	sne.s32 s17, $0x3F;
	v29 =	vld.idx.msk [tilespmem:v19+s29+$0x0], $0xffff;
	v13 =	vadd.f32 v13, v25;
	v11 =	vadd.f32 v11, v24;
	v22 =	vunpack.i.l.bf16.f32 v22  }
0x50: {  	v7 =	vunpack.i.l.bf16.f32 v7;
	v24 =	vld.idx.msk [tilespmem:v19+s30+$0x0], $0xffff;
	v25 =	vadd.f32 v22, v27;
	v26 =	vadd.f32 v28, v26  }
0x51: {  	s1 =	sadd.s32 $0xFFFFFFFE, s17;
	v19 =	vxor.u32 s17, v0;
	v27 =	vld.idx.msk [tilespmem:v9+s29+$0x0], $0xffff;
	v28 =	vadd.f32 v7, v13;
	v30 =	vadd.f32 v8, v11  }
0x52: {  	s18 =	sadd.s32 $0xFFFFFFFA, s17;
	s24 =	sadd.s32 $0xFFFFFFFC, s17;
	v7 =	vxor.u32 s1, v0;
	v22 =	vor.u32 v5, v19;
	v31 =	vld.idx.msk [tilespmem:v10+s29+$0x0], $0xffff  }
0x53: {  	v8 =	vxor.u32 s18, v0;
	v11 =	vxor.u32 s24, v0;
	v32 =	vor.u32 v5, v7;
	v33 =	vld.idx.msk [tilespmem:v15+s29+$0x0], $0xffff  }
0x54: {  	v13 =	vmul.bf16 v18, v16;
	v34 =	vor.u32 v5, v11;
	v7 =	vmul.bf16 v14, v12;
	v15 =	vld.idx.msk [tilespmem:v15+s30+$0x0], $0xffff  }
0x55: {  	v35 =	vor.u32 v5, v8;
	v12 =	vmul.bf16 v23, v21;
	v16 =	vld.idx.msk [tilespmem:v10+s30+$0x0], $0xffff;
	v10 =	vmul.bf16 v20, v17  }
0x56: {  	v11 =	vunpack.i.u.bf16.f32 v13;
	v13 =	vunpack.i.l.bf16.f32 v13;
	v8 =	vunpack.i.u.bf16.f32 v7;
	v17 =	vld.idx.msk [tilespmem:v9+s30+$0x0], $0xffff  }
0x57: {  	s1 =	sadd.s32 $0xFFFFFFFD, s17;
	s18 =	sadd.s32 $0xFFFFFFFF, s17;
	v20 =	vunpack.i.u.bf16.f32 v12;
	v23 =	vunpack.i.u.bf16.f32 v10;
	v36 =	vunpack.i.l.bf16.f32 v10  }
0x58: {  	s25 =	sadd.s32 $0xFFFFFFFB, s17;
	s24 =	sadd.s32 $0xFFFFFFF9, s17;
	v21 =	vunpack.i.l.bf16.f32 v12;
	v9 =	vxor.u32 s1, v0;
	v10 =	vxor.u32 s18, v0  }
0x59: {  	v14 =	vxor.u32 s24, v3;
	v12 =	vxor.u32 s25, v0;
	v19 =	vor.u32 v5, v10  }
0x5a: {  	v9 =	vor.u32 v5, v9;
	v10 =	vor.u32 v5, v12;
	v18 =	vmul.bf16 v15, v33;
	v12 =	vld.idx.msk [tilespmem:v22+s29+$0x0], $0xffff  }
0x5b: {  	v15 =	vor.u32 v14, v6;
	v31 =	vmul.bf16 v16, v31;
	v14 =	vld.idx.msk [tilespmem:v22+s30+$0x0], $0xffff;
	v22 =	vmul.bf16 v24, v29  }
0x5c: {  	v24 =	vunpack.i.u.bf16.f32 v18;
	v29 =	vunpack.i.l.bf16.f32 v18;
	v27 =	vmul.bf16 v17, v27;
	v16 =	vld.idx.msk [tilespmem:v32+s29+$0x0], $0xffff  }
.Ltmp0:
0x5d: {  	v25 =	vadd.f32 v29, v25;
	v24 =	vadd.f32 v24, v26;
	v26 =	vunpack.i.u.bf16.f32 v31;
	v18 =	vld.idx.msk [tilespmem:v32+s30+$0x0], $0xffff;
	(pc) =	sbr.rel @p1 .LBB2_4-.Ltmp0, $4  }
0x5e: {  	v28 =	vadd.f32 v21, v28;
	v29 =	vadd.f32 v20, v30;
	v21 =	vunpack.i.l.bf16.f32 v31;
	v17 =	vld.idx.msk [tilespmem:v34+s29+$0x0], $0xffff  }
0x5f: {  	v31 =	vunpack.i.u.bf16.f32 v27;
	v30 =	vadd.f32 v21, v25;
	v26 =	vadd.f32 v26, v24;
	v20 =	vld.idx.msk [tilespmem:v34+s30+$0x0], $0xffff  }
0x60: {  	v27 =	vunpack.i.l.bf16.f32 v27;
	v25 =	vadd.f32 v36, v28;
	v24 =	vadd.f32 v23, v29;
	v21 =	vld.idx.msk [tilespmem:v35+s29+$0x0], $0xffff  }
0x61: {  	s17 =	sadd.s32 $0x8, s17;
	v28 =	vunpack.i.u.bf16.f32 v22;
	v27 =	vadd.f32 v27, v30;
	v26 =	vadd.f32 v31, v26;
	v23 =	vld.idx.msk [tilespmem:v35+s30+$0x0], $0xffff  }
0x62: {  	_ =	sdelay $0x3  }
0x63: {  	v5 =	vld.idx.msk [tilespmem:v19+s29+$0x0], $0xffff  }
0x64: {  	v6 =	vld.idx.msk [tilespmem:v19+s30+$0x0], $0xffff  }
0x65: {  	v49 =	vld.idx.msk [tilespmem:v9+s29+$0x0], $0xffff  }
0x66: {  	v29 =	vld.idx.msk [tilespmem:v10+s29+$0x0], $0xffff  }
0x67: {  	v50 =	vld.idx.msk [tilespmem:v15+s29+$0x0], $0xffff  }
0x68: {  	v13 =	vadd.f32 v13, v25;
	v51 =	vld.idx.msk [tilespmem:v15+s30+$0x0], $0xffff  }
0x69: {  	v22 =	vunpack.i.l.bf16.f32 v22;
	v11 =	vadd.f32 v11, v24;
	v7 =	vunpack.i.l.bf16.f32 v7;
	v53 =	vld.idx.msk [tilespmem:v10+s30+$0x0], $0xffff  }
0x6a: {  	v16 =	vmul.bf16 v18, v16;
	v55 =	vld.idx.msk [tilespmem:v9+s30+$0x0], $0xffff;
	v22 =	vadd.f32 v22, v27;
	v52 =	vadd.f32 v28, v26  }
0x6b: {  	v12 =	vmul.bf16 v14, v12;
	v7 =	vadd.f32 v7, v13;
	v8 =	vadd.f32 v8, v11  }
0x6c: {  	v56 =	vmul.bf16 v20, v17;
	v57 =	vunpack.i.u.bf16.f32 v16;
	v16 =	vunpack.i.l.bf16.f32 v16  }
0x6d: {  	v58 =	vunpack.i.u.bf16.f32 v12;
	v63 =	vunpack.i.l.bf16.f32 v12;
	v54 =	vmul.bf16 v23, v21  }
0x6e: {  	v20 =	vunpack.i.u.bf16.f32 v56;
	v15 =	vmul.bf16 v51, v50;
	v10 =	vmul.bf16 v53, v29  }
0x6f: {  	v11 =	vunpack.i.l.bf16.f32 v56;
	v5 =	vmul.bf16 v6, v5;
	v9 =	vmul.bf16 v55, v49  }
0x70: {  	v59 =	vunpack.i.u.bf16.f32 v54;
	v13 =	vunpack.i.l.bf16.f32 v54;
	v6 =	vunpack.i.u.bf16.f32 v15  }
0x71: {  	v15 =	vunpack.i.l.bf16.f32 v15;
	v7 =	vadd.f32 v13, v7;
	v8 =	vadd.f32 v59, v8  }
0x72: {  	v60 =	vunpack.i.u.bf16.f32 v10;
	v15 =	vadd.f32 v15, v22;
	v6 =	vadd.f32 v6, v52  }
0x73: {  	v10 =	vunpack.i.l.bf16.f32 v10;
	v7 =	vadd.f32 v11, v7;
	v8 =	vadd.f32 v20, v8  }
0x74: {  	v61 =	vunpack.i.u.bf16.f32 v9;
	v10 =	vadd.f32 v10, v15;
	v6 =	vadd.f32 v60, v6  }
0x75: {  	v9 =	vunpack.i.l.bf16.f32 v9;
	v7 =	vadd.f32 v16, v7;
	v8 =	vadd.f32 v57, v8  }
0x76: {  	v62 =	vunpack.i.u.bf16.f32 v5;
	v9 =	vadd.f32 v9, v10;
	v6 =	vadd.f32 v61, v6  }
0x77: {  	v5 =	vunpack.i.l.bf16.f32 v5;
	v7 =	vadd.f32 v63, v7;
	v8 =	vadd.f32 v58, v8  }
0x78: {  	v5 =	vadd.f32 v5, v9;
	v6 =	vadd.f32 v62, v6;
	_ =	sdelay $0x1  }
0x79: {  	v5 =	vadd.f32 v6, v5;
	v6 =	vadd.f32 v8, v7;
	_ =	sdelay $0x1  }
0x7a: {  	v5 =	vadd.f32 v6, v5;
	_ =	sdelay $0x1  }
0x7b: {  	v5 =	vand.u32 $0x7FFFFFFF, v5  }
0x7c: {  	v5 =	vmul.f32 $-9.999999770e-03, v5;
	_ =	sdelay $0x1  }
0x7d: {  	v5 =	vmul.f32 $1.442695020e+00, v5;
	_ =	sdelay $0x1  }
0x7e: {  	(erf) = vpow2.f32 v5;
	_ =	sdelay $0x8  }
0x7f: {  	v5 =	vpop (erf)  }
0x80: {  	v5 =	vmul.f32 $1.442695020e+00, v5;
	_ =	sdelay $0x1  }
0x81: {  	(erf) = vpow2.f32 v5;
	_ =	sdelay $0x3  }
0x82: {  	s31 =	sadd.s32 $0x1, s31  }
0x83: {  	p1 =	seq.s32 s31, $0x5  }
.Ltmp1:
0x84: {  	_ = 	snop;
	(pc) =	sbr.rel @!p1 .LBB2_3-.Ltmp1, $3  }
0x85: {  	_ =	sdelay $0x1  }
0x86: {  	v5 =	vpop (erf)  }
0x87: {  	[tilespmem:v4+s2+$0x0 ss:$0x1] =	vst.idx.msk $0xffff, v5  }
0x88: {  	p1 =	seq.s32 s28, $0x7D  }
.Ltmp2:
0x89: {  	_ = 	snop;
	(pc) =	sbr.rel @!p1 .LBB2_2-.Ltmp2, $1  }
0x8a: {  	_ =	sdelay $0x3  }
0x8b: {  	s2 =	simm.s32 $0x0  }
.LBB2_8:
0x8c: {  	p1 =	sne.s32 s2, $0x9B00  }
.Ltmp3:
0x8d: {  	_ = 	snop;
	(pc) =	sbr.rel @p1 .LBB2_8-.Ltmp3, $4  }
0x8e: {  	_ = 	snop  }
0x8f: {  	s1 =	sshra.s32 s2, $0x2  }
0x90: {  	s2 =	sadd.s32 $0x140, s2;
	s17 =	sadd.s32 $0x4E20, s1;
	s1 =	sadd.s32 $0x2710, s1  }
0x91: {  	[spmem:s3] =	stream.indirect.scatter.add.f32 [tilespmem:s17], [sflag:$0x3], $0x1, s1, s16, $0xb8;
	[tilespmem:$0x13CD8] =	vst v63  }
0x92: {  	_ =	swait.ge [sflag:s21], $0x50  }
0x93: {  	s2 =	simm.s32 $0x7C;
	[sflag:s21] =	ssyncset.done $0x0  }
.LBB2_10:
0x94: {  	p1 =	sne.s32 s2, $0x1;
	s2 =	sadd.s32 $0xFFFFFFFF, s2;
	[sflag:s21] =	ssyncadd.s32 $0xFFFFFFB0  }
.Ltmp4:
0x95: {  	(pc) =	sbr.rel @p1 .LBB2_10-.Ltmp4, $3  }
0x96: {  	_ =	sdelay $0x1  }
0x97: {  	_ =	swait.ge [sflag:s21], $0x50  }
0x98: {  	[sflag:s21] =	ssyncset.done $0x0  }
0x99: {  	[sflag:s21] =	ssyncadd.s32 $0xFFFFFFB0  }
0x9a: {  	s1 =	simm.s32 @!p0 $0x1C05;
	[bflag:$0x0] =	sbarrier.arrive $0xFFFF  }
0x9b: {  	[hbm:s8], [sflag:s1] =	dma.local @!p0 [spmem:s13], $0x4E2  }
0x9c: {  	s1 =	simm.s32 @!p0 $0x5  }
0x9d: {  	_ =	swait.ge @!p0 [sflag:s1], $0x4E2  }
0x9e: {  	[sflag:s1] =	ssyncset.done @!p0 $0x0  }
0x9f: {  	[sflag:s1] =	ssyncadd.s32 @!p0 $0xFFFFFB1E;
	s1 =	simm.s32 @!p0 $0x100000  }
0xa0: {  	[smem:s1], [sflag:$0x0] =	smem.add.s32 @!p0 $0x0;
	s1 =	simm.s32 @!p0 $0x0  }
0xa1: {  	_ =	swait.done @!p0 [sflag:s1]  }
0xa2: {  	s2 =	ssyncread @!p0 [sflag:$0x0];
	_ =	sdelay $0x2  }
0xa3: {  	s2 =	sadd.s32 @!p0 s9, s2  }
0xa4: {  	s2 =	sshll.u32 @!p0 s2, $0x11  }
0xa5: {  	[sflag:s1] =	ssyncset.s32 @!p0 $0x0;
	s2 =	sor.u32 @!p0 s2, s22  }
0xa6: {  	[sflag:s1] =	ssyncset.done @!p0 $0x0;
	s1 =	sor.u32 @!p0 $0x1C04, s2  }
0xa7: {  	[sflag:s1] =	ssyncadd.remote.s32 @!p0 $0x1;
	s1 =	simm.s32 @!p0 $0x4  }
0xa8: {  	_ =	swait.ge @!p0 [sflag:s1], $0x1  }
0xa9: {  	[sflag:s1] =	ssyncset.done @!p0 $0x0  }
0xaa: {  	[sflag:s1] =	ssyncadd.s32 @!p0 $0xFFFFFFFF  }
0xab: {  	[bflag:$0x0] =	sbarrier.arrive $0xFFFF  }
0xac: {  	s29 =	simm.s32 $0x0;
	s30 =	rddreg [dreg:$0x1]  }
0xad: {  	[tilespmem:s23], [sflag:$0x5] =	stream.linear.gather [hbm4b:s30+s29], $0x2710, $0x38;
	[tilespmem:$0x13CD8] =	vst v63  }
0xae: {  	_ =	swait.ge [sflag:s14], $0x2710  }
0xaf: {  	[sflag:s14] =	ssyncset.done $0x0  }
0xb0: {  	s31 =	simm.s32 $0x11350;
	[sflag:s14] =	ssyncadd.s32 $0xFFFFD8F0  }
0xb1: {  	[tilespmem:s31], [sflag:$0x5] =	stream.linear.gather [hbm4b:s10+s29], $0x2710, $0x38;
	[tilespmem:$0x13CD8] =	vst v63  }
0xb2: {  	_ =	swait.ge [sflag:s14], $0x2710  }
0xb3: {  	[sflag:s14] =	ssyncset.done $0x0  }
0xb4: {  	s2 =	simm.s32 $0x0;
	[sflag:s14] =	ssyncadd.s32 $0xFFFFD8F0  }
0xb5: {  	s28 =	simm.s32 $0x40;
	s17 =	simm.s32 $0x0;
	v4 =	vld [tilespmem:s2+$0x11350]  }
.LBB2_12:
0xb6: {  	p1 =	sne.s32 s28, $0x9C00;
	v5 =	vld [tilespmem:s17+$0xEC40];
	_ =	sdelay $0x2  }
.Ltmp5:
0xb7: {  	(pc) =	sbr.rel @p1 .LBB2_12-.Ltmp5, $4  }
0xb8: {  	_ = 	snop  }
0xb9: {  	v5 =	vadd.f32 v4, v5  }
0xba: {  	s1 =	sshra.s32 s28, $0x2  }
0xbb: {  	s28 =	sadd.s32 $0x40, s28;
	v4 =	vld [tilespmem:s1+$0x11350];
	[tilespmem:s17+$0xEC40] =	vst v5;
	s17 =	smov.u32 s1  }
0xbc: {  	v5 =	vld [tilespmem:s17+$0xEC40];
	_ =	sdelay $0x4  }
0xbd: {  	v4 =	vadd.f32 v4, v5;
	_ =	sdelay $0x1  }
0xbe: {  	[tilespmem:s17+$0xEC40] =	vst v4  }
0xbf: {  	v4 =	vld [tilespmem:s2+$0x2710];
	_ =	sdelay $0x7  }
0xc0: {  	v4 =	vld.idx.msk [tilespmem:v4+s23+$0x0], $0xffff;
	_ =	sdelay $0x4  }
0xc1: {  	(erf) = vrcp.f32 v4;
	_ =	sdelay $0x3  }
0xc2: {  	v5 =	vld [tilespmem:s2+$0x2720]  }
0xc3: {  	v4 =	vld [tilespmem:s2+$0x4E20];
	_ =	sdelay $0x3  }
0xc4: {  	v6 =	vpop (erf)  }
0xc5: {  	v4 =	vmul.f32 v6, v4;
	_ =	sdelay $0x1  }
0xc6: {  	[tilespmem:s2+$0xC530] =	vst v4  }
0xc7: {  	v4 =	vld.idx.msk [tilespmem:v5+s23+$0x0], $0xffff;
	_ =	sdelay $0x4  }
0xc8: {  	(erf) = vrcp.f32 v4;
	_ =	sdelay $0x3  }
0xc9: {  	v5 =	vld [tilespmem:s2+$0x2730]  }
0xca: {  	v4 =	vld [tilespmem:s2+$0x4E30];
	_ =	sdelay $0x3  }
0xcb: {  	v6 =	vpop (erf)  }
0xcc: {  	v4 =	vmul.f32 v6, v4;
	_ =	sdelay $0x1  }
0xcd: {  	[tilespmem:s2+$0xC540] =	vst v4  }
0xce: {  	v4 =	vld.idx.msk [tilespmem:v5+s23+$0x0], $0xffff;
	_ =	sdelay $0x4  }
0xcf: {  	(erf) = vrcp.f32 v4;
	_ =	sdelay $0x3  }
0xd0: {  	v5 =	vld [tilespmem:s2+$0x2740]  }
0xd1: {  	v4 =	vld [tilespmem:s2+$0x4E40];
	_ =	sdelay $0x3  }
0xd2: {  	v6 =	vpop (erf)  }
0xd3: {  	v4 =	vmul.f32 v6, v4;
	_ =	sdelay $0x1  }
0xd4: {  	[tilespmem:s2+$0xC550] =	vst v4  }
0xd5: {  	v4 =	vld.idx.msk [tilespmem:v5+s23+$0x0], $0xffff;
	_ =	sdelay $0x4  }
0xd6: {  	(erf) = vrcp.f32 v4;
	_ =	sdelay $0x3  }
0xd7: {  	v5 =	vld [tilespmem:s2+$0x2750]  }
0xd8: {  	v4 =	vld [tilespmem:s2+$0x4E50];
	_ =	sdelay $0x3  }
0xd9: {  	v6 =	vpop (erf)  }
0xda: {  	v4 =	vmul.f32 v6, v4;
	_ =	sdelay $0x1  }
0xdb: {  	[tilespmem:s2+$0xC560] =	vst v4  }
0xdc: {  	v4 =	vld.idx.msk [tilespmem:v5+s23+$0x0], $0xffff;
	_ =	sdelay $0x4  }
0xdd: {  	(erf) = vrcp.f32 v4;
	_ =	sdelay $0x3  }
0xde: {  	s28 =	simm.s32 $0x280;
	s17 =	simm.s32 $0x50;
	v4 =	vld [tilespmem:s2+$0x4E60]  }
.LBB2_14:
0xdf: {  	p1 =	sne.s32 s28, $0x9B00;
	v5 =	vld [tilespmem:s17+$0x2710];
	_ =	sdelay $0x3  }
0xe0: {  	v6 =	vpop (erf)  }
0xe1: {  	v4 =	vmul.f32 v6, v4;
	_ =	sdelay $0x1  }
0xe2: {  	[tilespmem:s2+$0xC570] =	vst v4;
	s2 =	smov.u32 s17  }
0xe3: {  	v4 =	vld.idx.msk [tilespmem:v5+s23+$0x0], $0xffff;
	_ =	sdelay $0x5  }
0xe4: {  	(erf) = vrcp.f32 v4;
	_ =	sdelay $0x3  }
0xe5: {  	v4 =	vld [tilespmem:s2+$0x4E20]  }
0xe6: {  	v5 =	vld [tilespmem:s2+$0x2720];
	_ =	sdelay $0x3  }
0xe7: {  	v6 =	vpop (erf)  }
0xe8: {  	v4 =	vmul.f32 v6, v4;
	_ =	sdelay $0x1  }
0xe9: {  	[tilespmem:s2+$0xC530] =	vst v4  }
0xea: {  	v4 =	vld.idx.msk [tilespmem:v5+s23+$0x0], $0xffff;
	_ =	sdelay $0x5  }
0xeb: {  	(erf) = vrcp.f32 v4;
	_ =	sdelay $0x3  }
0xec: {  	v4 =	vld [tilespmem:s2+$0x4E30]  }
0xed: {  	v5 =	vld [tilespmem:s2+$0x2730];
	_ =	sdelay $0x3  }
0xee: {  	v6 =	vpop (erf)  }
0xef: {  	v4 =	vmul.f32 v6, v4;
	_ =	sdelay $0x1  }
0xf0: {  	[tilespmem:s2+$0xC540] =	vst v4  }
0xf1: {  	v4 =	vld.idx.msk [tilespmem:v5+s23+$0x0], $0xffff;
	_ =	sdelay $0x5  }
0xf2: {  	(erf) = vrcp.f32 v4;
	_ =	sdelay $0x3  }
0xf3: {  	v4 =	vld [tilespmem:s2+$0x4E40]  }
0xf4: {  	v5 =	vld [tilespmem:s2+$0x2740];
	_ =	sdelay $0x3  }
0xf5: {  	v6 =	vpop (erf)  }
0xf6: {  	v4 =	vmul.f32 v6, v4;
	_ =	sdelay $0x1  }
0xf7: {  	[tilespmem:s2+$0xC550] =	vst v4  }
0xf8: {  	v4 =	vld.idx.msk [tilespmem:v5+s23+$0x0], $0xffff;
	_ =	sdelay $0x5  }
0xf9: {  	(erf) = vrcp.f32 v4;
	_ =	sdelay $0x3  }
0xfa: {  	v4 =	vld [tilespmem:s2+$0x4E50]  }
0xfb: {  	v5 =	vld [tilespmem:s2+$0x2750];
	_ =	sdelay $0x3  }
0xfc: {  	v6 =	vpop (erf)  }
0xfd: {  	v4 =	vmul.f32 v6, v4;
	_ =	sdelay $0x1  }
0xfe: {  	[tilespmem:s2+$0xC560] =	vst v4  }
0xff: {  	v4 =	vld.idx.msk [tilespmem:v5+s23+$0x0], $0xffff;
	_ =	sdelay $0x5  }
.Ltmp6:
0x100: {  	(erf) = vrcp.f32 v4;
	(pc) =	sbr.rel @p1 .LBB2_14-.Ltmp6, $2  }
0x101: {  	_ =	sdelay $0x2  }
0x102: {  	s17 =	sshra.s32 s28, $0x2;
	s28 =	sadd.s32 $0x140, s28;
	v4 =	vld [tilespmem:s2+$0x4E60]  }
0x103: {  	v5 =	vld [tilespmem:s17+$0x2710];
	_ =	sdelay $0x3  }
0x104: {  	v6 =	vpop (erf)  }
0x105: {  	v4 =	vmul.f32 v6, v4;
	_ =	sdelay $0x1  }
0x106: {  	[tilespmem:s2+$0xC570] =	vst v4  }
0x107: {  	v4 =	vld.idx.msk [tilespmem:v5+s23+$0x0], $0xffff;
	_ =	sdelay $0x4  }
0x108: {  	(erf) = vrcp.f32 v4;
	_ =	sdelay $0x3  }
0x109: {  	v5 =	vld [tilespmem:s17+$0x2720]  }
0x10a: {  	v4 =	vld [tilespmem:s17+$0x4E20];
	_ =	sdelay $0x3  }
0x10b: {  	v60 =	vpop (erf)  }
0x10c: {  	v4 =	vmul.f32 v60, v4;
	_ =	sdelay $0x1  }
0x10d: {  	[tilespmem:s17+$0xC530] =	vst v4  }
0x10e: {  	v4 =	vld.idx.msk [tilespmem:v5+s23+$0x0], $0xffff;
	_ =	sdelay $0x4  }
0x10f: {  	(erf) = vrcp.f32 v4;
	_ =	sdelay $0x3  }
0x110: {  	v5 =	vld [tilespmem:s17+$0x2730]  }
0x111: {  	v4 =	vld [tilespmem:s17+$0x4E30];
	_ =	sdelay $0x3  }
0x112: {  	v61 =	vpop (erf)  }
0x113: {  	v4 =	vmul.f32 v61, v4;
	_ =	sdelay $0x1  }
0x114: {  	[tilespmem:s17+$0xC540] =	vst v4  }
0x115: {  	v4 =	vld.idx.msk [tilespmem:v5+s23+$0x0], $0xffff;
	_ =	sdelay $0x4  }
0x116: {  	(erf) = vrcp.f32 v4;
	_ =	sdelay $0x3  }
0x117: {  	v5 =	vld [tilespmem:s17+$0x2740]  }
0x118: {  	v4 =	vld [tilespmem:s17+$0x4E40];
	_ =	sdelay $0x3  }
0x119: {  	v62 =	vpop (erf)  }
0x11a: {  	v4 =	vmul.f32 v62, v4;
	_ =	sdelay $0x1  }
0x11b: {  	[tilespmem:s17+$0xC550] =	vst v4  }
0x11c: {  	v4 =	vld.idx.msk [tilespmem:v5+s23+$0x0], $0xffff;
	_ =	sdelay $0x4  }
0x11d: {  	(erf) = vrcp.f32 v4;
	_ =	sdelay $0x3  }
0x11e: {  	v5 =	vld [tilespmem:s17+$0x2750]  }
0x11f: {  	v4 =	vld [tilespmem:s17+$0x4E50];
	_ =	sdelay $0x3  }
0x120: {  	v63 =	vpop (erf)  }
0x121: {  	v4 =	vmul.f32 v63, v4;
	_ =	sdelay $0x1  }
0x122: {  	[tilespmem:s17+$0xC560] =	vst v4  }
0x123: {  	v4 =	vld.idx.msk [tilespmem:v5+s23+$0x0], $0xffff;
	_ =	sdelay $0x4  }
0x124: {  	(erf) = vrcp.f32 v4;
	_ =	sdelay $0x4  }
0x125: {  	v4 =	vld [tilespmem:s17+$0x4E60];
	_ =	sdelay $0x3  }
0x126: {  	v5 =	vpop (erf)  }
0x127: {  	s26 =	sadd.s32 $0x1, s26;
	v4 =	vmul.f32 v5, v4  }
0x128: {  	p1 =	sne.s32 s26, s12  }
.Ltmp7:
0x129: {  	s1 =	simm.s32 $0xC530;
	[tilespmem:s17+$0xC570] =	vst v4;
	(pc) =	sbr.rel @p1 .LBB2_1-.Ltmp7, $4  }
0x12a: {  	[hbm4b:s11+s4] =	stream.linear.scatter [tilespmem:s1], [sflag:$0x5], $0x2710, $0x38;
	[tilespmem:$0x13CD8] =	vst v63  }
0x12b: {  	_ =	swait.ge [sflag:s14], $0x2710  }
0x12c: {  	[sflag:s14] =	ssyncset.done $0x0  }
0x12d: {  	[sflag:s14] =	ssyncadd.s32 $0xFFFFD8F0  }
0x12e: {  	_ =	sfence.sel $0x180000  }
0x12f: {  	[bflag:$0x0] =	sbarrier.arrive $0xFFFF  }
0x130: {  	_ =	strace $0x90000047  }
0x131: {  	[bflag:$0x2] =	sbarrier.arrive $0xFFFF  }
0x132: {  	s0 =	rddreg [dreg:$0x3]  }
0x133: {  	s0 =	sadd.s32 @!p0 $0x100000, s0  }
0x134: {  	[sflag:s0] =	ssyncadd.tile.s32 @!p0 $0x1;
	_ =	shalt  }
.Lfunc_end2:
_tile_overlayer_lowered:
.L_overlay_start_2:
0x135: {  	(tag) =	ssettag $0x2  }
0x136: {  	s0 =	rddreg [dreg:$0x0];
	s2 =	stileid.u32  }
0x137: {  	s1 =	rddreg [dreg:$0x1];
	p0 =	sne.s32 s2, $0x0  }
0x138: {  	s3 =	rddreg [dreg:$0x2];
	[bflag:$0x3] =	sbarrier.arrive $0xFFFF;
	s2 =	simm.s32 @!p0 $0x1C05  }
0x139: {  	[timem:s3], [sflag:s2] =	dma.local @!p0 [hbm:s0], s1  }
0x13a: {  	s0 =	simm.s32 @!p0 $0x5  }
0x13b: {  	_ =	swait.ge @!p0 [sflag:s0], s1  }
0x13c: {  	s1 =	ssub.s32 @!p0 $0x0, s1;
	[sflag:s0] =	ssyncset.done @!p0 $0x0  }
0x13d: {  	[sflag:s0] =	ssyncadd.s32 @!p0 s1  }
0x13e: {  	[bflag:$0x3] =	sbarrier.arrive $0xFFFF  }
0x13f: {  	_ =	shalt  }

</sc_bundles>
